<compile_context>
chip_gen: v7x
topology: tpu7x:2x2x1
jax: 0.10.2.dev20260603
libtpu: 0.0.44.dev20260713+nightly
codegen_flags: <defaults>
</compile_context>

<pallas_src>
import functools

import jax
import jax.numpy as jnp
from jax import lax
from jax.experimental import pallas as pl
from jax.experimental.pallas import tpu as pltpu
from jax.experimental.pallas import tpu_sc as plsc

N_NODES = 10000
N_EDGES = 320000
D = 128
DH = D // 2

NC = 2
NS = 16
CHUNK = 80
EPT = N_EDGES // NS
NCHUNK = EPT // CHUNK
NBUF = 5
GAHEAD = 3
N_PAD = 10240
ROWS_PER_TILE = N_PAD // NS
OUT_CHUNK = 128
N_OUT = ROWS_PER_TILE // OUT_CHUNK


def _sc_segment_sum(xh, src, dst):
  mesh = plsc.VectorSubcoreMesh(core_axis_name="c", subcore_axis_name="s")

  @functools.partial(
      pl.kernel,
      out_type=[
          jax.ShapeDtypeStruct((NC, N_PAD, DH), jnp.float32),
          jax.ShapeDtypeStruct((NC * NS, N_PAD), jnp.float32),
      ],
      mesh=mesh,
      compiler_params=pltpu.CompilerParams(
          use_tc_tiling_on_sc=False, needs_layout_passes=False),
      scratch_types=[
          pltpu.VMEM((NCHUNK, CHUNK), jnp.int32),
          pltpu.VMEM((NCHUNK, CHUNK), jnp.int32),
          [pltpu.VMEM((CHUNK, DH), jnp.float32) for _ in range(NBUF)],
          pltpu.VMEM((N_PAD,), jnp.float32),
          pltpu.VMEM((OUT_CHUNK, DH), jnp.float32),
          pltpu.VMEM_SHARED((N_PAD, DH), jnp.float32),
          [pltpu.SemaphoreType.DMA for _ in range(NBUF)],
          [pltpu.SemaphoreType.DMA for _ in range(NBUF)],
      ],
  )
  def k(x_hbm, src_hbm, dst_hbm, osum_hbm, ocnt_hbm,
        src_i, dst_i, rows, hist, obuf, acc, gsem, ssem):
    c = lax.axis_index("c")
    s = lax.axis_index("s")

    idx_cp1 = pltpu.async_copy(src_hbm.at[c, s], src_i, ssem[0])
    idx_cp2 = pltpu.async_copy(dst_hbm.at[s], dst_i, ssem[1])

    zeros16 = jnp.zeros((16,), jnp.float32)
    ones16 = jnp.ones((16,), jnp.float32)

    @pl.loop(0, OUT_CHUNK)
    def _(i):
      for j in range(DH // 16):
        obuf[i, pl.ds(j * 16, 16)] = zeros16

    base_rows = s * ROWS_PER_TILE
    zero_cps = [
        pltpu.async_copy(obuf,
                         acc.at[pl.ds(base_rows + t * OUT_CHUNK, OUT_CHUNK)],
                         gsem[t])
        for t in range(N_OUT)
    ]

    @pl.loop(0, N_PAD // 16)
    def _(i):
      hist[pl.ds(i * 16, 16)] = zeros16

    for cp in zero_cps:
      cp.wait()
    idx_cp1.wait()
    idx_cp2.wait()
    plsc.subcore_barrier()

    def gather(j, b):
      pltpu.async_copy(x_hbm.at[src_i.at[j]], rows[b], gsem[b])

    def scatter(j, b):
      pltpu.async_copy(rows[b], acc.at[dst_i.at[j]], ssem[b], add=True)
      for t in range(CHUNK // 16):
        idx = dst_i[j, pl.ds(t * 16, 16)]
        plsc.addupdate_scatter(hist, [idx], ones16)

    def wait_g(j, b):
      pltpu.make_async_copy(x_hbm.at[src_i.at[j]], rows[b], gsem[b]).wait()

    def wait_s(j, b):
      pltpu.make_async_copy(rows[b], acc.at[dst_i.at[j]], ssem[b]).wait()

    for m in range(GAHEAD):
      gather(m, m)

    @pl.loop(0, NCHUNK, step=NBUF)
    def _(base):
      for k in range(NBUF):
        b = k
        bg = (k + GAHEAD) % NBUF
        j = base + k
        wait_g(j, b)
        scatter(j, b)

        if k < NBUF - GAHEAD:
          @pl.when(base > 0)
          def _():
            wait_s(j - (NBUF - GAHEAD), bg)
        else:
          wait_s(j - (NBUF - GAHEAD), bg)

        @pl.when(j + GAHEAD < NCHUNK)
        def _():
          gather(j + GAHEAD, bg)

    for m in range(NCHUNK - (NBUF - GAHEAD), NCHUNK):
      wait_s(m, m % NBUF)

    plsc.subcore_barrier()

    pltpu.sync_copy(acc.at[pl.ds(base_rows, ROWS_PER_TILE)],
                    osum_hbm.at[c, pl.ds(base_rows, ROWS_PER_TILE)])
    pltpu.sync_copy(hist, ocnt_hbm.at[c * NS + s])

  return k(xh, src, dst)


BLK = 1024


def _tc_body(s_ref, c_ref, wt_ref, b_ref, o_ref):
  sums = jnp.concatenate([s_ref[0], s_ref[1]], axis=1)
  cntv = jnp.sum(c_ref[...], axis=0) * 0.5
  mean = sums * (1.0 / jnp.maximum(cntv, 1.0))[:, None]
  h = jnp.dot(mean, wt_ref[...], preferred_element_type=jnp.float32)
  h = h + b_ref[...]
  o_ref[...] = jnp.maximum(h, 0.0)


def _tc_finish(sums, cnts, Wt, b):
  return pl.pallas_call(
      _tc_body,
      grid=(N_PAD // BLK,),
      in_specs=[
          pl.BlockSpec((NC, BLK, DH), lambda i: (0, i, 0)),
          pl.BlockSpec((NC * NS, BLK), lambda i: (0, i)),
          pl.BlockSpec((D, D), lambda i: (0, 0)),
          pl.BlockSpec((1, D), lambda i: (0, 0)),
      ],
      out_specs=pl.BlockSpec((BLK, D), lambda i: (i, 0)),
      out_shape=jax.ShapeDtypeStruct((N_PAD, D), jnp.float32),
  )(sums, cnts, Wt, b)


@jax.jit
def kernel(x, edge_index, W, b):
  xh = jnp.concatenate([x[:, :DH], x[:, DH:]], axis=0)
  src0 = edge_index[0].reshape(NS, NCHUNK, CHUNK)
  src = jnp.stack([src0, src0 + N_NODES])
  dst = edge_index[1].reshape(NS, NCHUNK, CHUNK)
  sums, cnts = _sc_segment_sum(xh, src, dst)
  return _tc_finish(sums, cnts, W.T, b.reshape(1, D))[:N_NODES]

# --- scband reference (transcript-rebuilt; emitter-appended) ---
"""Pipeline reference for scband-gcn-45234595561882 (READ-ONLY COPY).

The authoritative reference and input builder live on the scoring server;
editing this copy changes nothing except your own understanding.
"""

import jax, jax.numpy as jnp
import numpy as np

N_NODES = 10000
N_EDGES = 320000
D_FEAT = 128
D_OUT = 128


def setup_inputs(seed: int = 0) -> dict:
    key = jax.random.key(seed)
    k1, k2, k3, k4 = jax.random.split(key, 4)
    x = jax.random.normal(k1, (N_NODES, D_FEAT), dtype=jnp.float32)
    edge_index = jax.random.randint(k2, (2, N_EDGES), 0, N_NODES, dtype=jnp.int32)
    # nn.Linear(in_feats, out_feats) parameters
    W = jax.random.normal(k3, (D_OUT, D_FEAT), dtype=jnp.float32) * 0.05
    b = jax.random.normal(k4, (D_OUT,), dtype=jnp.float32) * 0.05
    return {"x": x, "edge_index": edge_index, "W": W, "b": b}


def reference(x, edge_index, W, b):
    # DGL: update_all(fn.copy_u('h','m'), fn.mean('m','h')) then apply_nodes(linear+relu)
    src = edge_index[0]
    dst = edge_index[1]
    msgs = jnp.take(x, src, axis=0)  # copy_u: gather source features along edges
    sums = jax.ops.segment_sum(msgs, dst, num_segments=N_NODES)
    counts = jax.ops.segment_sum(jnp.ones((N_EDGES,), dtype=x.dtype), dst, num_segments=N_NODES)
    # mean reduce; nodes with zero in-degree get 0 (DGL convention)
    mean_h = sums / jnp.clip(counts, 1.0)[:, None]
    h = mean_h @ W.T + b  # NodeApplyModule linear
    h = jax.nn.relu(h)    # activation
    return h

if __name__ == "__main__":
    import jax
    _d = setup_inputs()
    print(jax.jit(kernel)(*tuple(_d.values())))

</pallas_src>

<mosaic_0001>
#map = affine_map<(d0, d1) -> (0, 0)>
#map1 = affine_map<(d0, d1) -> (0, 0, 0, 0)>
#map2 = affine_map<(d0, d1) -> (0, 0, 0)>
module attributes {stable_mosaic.version = 14 : i64} {
  func.func @k(%arg0: i32, %arg1: i32, %arg2: memref<20000x64xf32, #tpu.memory_space<hbm>>, %arg3: memref<2x16x250x80xi32, #tpu.memory_space<hbm>>, %arg4: memref<16x250x80xi32, #tpu.memory_space<hbm>>, %arg5: memref<2x10240x64xf32, #tpu.memory_space<hbm>>, %arg6: memref<32x10240xf32, #tpu.memory_space<hbm>>, %arg7: memref<250x80xi32, #tpu.memory_space<vmem>>, %arg8: memref<250x80xi32, #tpu.memory_space<vmem>>, %arg9: memref<80x64xf32, #tpu.memory_space<vmem>>, %arg10: memref<80x64xf32, #tpu.memory_space<vmem>>, %arg11: memref<80x64xf32, #tpu.memory_space<vmem>>, %arg12: memref<80x64xf32, #tpu.memory_space<vmem>>, %arg13: memref<80x64xf32, #tpu.memory_space<vmem>>, %arg14: memref<10240xf32, #tpu.memory_space<vmem>>, %arg15: memref<128x64xf32, #tpu.memory_space<vmem>>, %arg16: memref<10240x64xf32, #tpu.memory_space<vmem_shared>>, %arg17: memref<!tpu.dma_semaphore, #tpu.memory_space<semaphore_mem>>, %arg18: memref<!tpu.dma_semaphore, #tpu.memory_space<semaphore_mem>>, %arg19: memref<!tpu.dma_semaphore, #tpu.memory_space<semaphore_mem>>, %arg20: memref<!tpu.dma_semaphore, #tpu.memory_space<semaphore_mem>>, %arg21: memref<!tpu.dma_semaphore, #tpu.memory_space<semaphore_mem>>, %arg22: memref<!tpu.dma_semaphore, #tpu.memory_space<semaphore_mem>>, %arg23: memref<!tpu.dma_semaphore, #tpu.memory_space<semaphore_mem>>, %arg24: memref<!tpu.dma_semaphore, #tpu.memory_space<semaphore_mem>>, %arg25: memref<!tpu.dma_semaphore, #tpu.memory_space<semaphore_mem>>, %arg26: memref<!tpu.dma_semaphore, #tpu.memory_space<semaphore_mem>>) attributes {dimension_semantics = [#tpu.dimension_semantics<core_parallel>, #tpu.dimension_semantics<subcore_parallel>], iteration_bounds = array<i64: 2, 16>, scalar_prefetch = 0 : i64, scratch_operands = 20 : i64, tpu.core_type = #tpu.core_type<sc_vector_subcore>, window_params = [{transform_indices = #map}, {transform_indices = #map1}, {transform_indices = #map2}, {transform_indices = #map2}, {transform_indices = #map}]} {
    %dma_start3A = arith.constant 0 : i32
    %dma_start3A_0 = arith.constant 0 : i32
    %dma_start3A_1 = tpu.memref_slice %arg3[%arg0, %arg1, %dma_start3A, %dma_start3A_0] : memref<2x16x250x80xi32, #tpu.memory_space<hbm>> -> memref<1x1x250x80xi32, #tpu.memory_space<hbm>>
    %dma_start3A_2 = tpu.memref_squeeze %dma_start3A_1 : memref<1x1x250x80xi32, #tpu.memory_space<hbm>> -> memref<250x80xi32, #tpu.memory_space<hbm>>
    %dma_start3A_3 = arith.constant 0 : i32
    %dma_start3A_4 = arith.constant 0 : i32
    %dma_start3A_5 = tpu.memref_slice %arg3[%arg0, %arg1, %dma_start3A_3, %dma_start3A_4] : memref<2x16x250x80xi32, #tpu.memory_space<hbm>> -> memref<1x1x250x80xi32, #tpu.memory_space<hbm>>
    %dma_start3A_6 = tpu.memref_squeeze %dma_start3A_5 : memref<1x1x250x80xi32, #tpu.memory_space<hbm>> -> memref<250x80xi32, #tpu.memory_space<hbm>>
    tpu.enqueue_dma source(%dma_start3A_6 : memref<250x80xi32, #tpu.memory_space<hbm>>) target(%arg7 : memref<250x80xi32, #tpu.memory_space<vmem>>) target_semaphore(%arg22 : memref<!tpu.dma_semaphore, #tpu.memory_space<semaphore_mem>>)
    %dma_start3A_7 = arith.constant 0 : i32
    %dma_start3A_8 = arith.constant 0 : i32
    %dma_start3A_9 = tpu.memref_slice %arg4[%arg1, %dma_start3A_7, %dma_start3A_8] : memref<16x250x80xi32, #tpu.memory_space<hbm>> -> memref<1x250x80xi32, #tpu.memory_space<hbm>>
    %dma_start3A_10 = tpu.memref_squeeze %dma_start3A_9 : memref<1x250x80xi32, #tpu.memory_space<hbm>> -> memref<250x80xi32, #tpu.memory_space<hbm>>
    %dma_start3A_11 = arith.constant 0 : i32
    %dma_start3A_12 = arith.constant 0 : i32
    %dma_start3A_13 = tpu.memref_slice %arg4[%arg1, %dma_start3A_11, %dma_start3A_12] : memref<16x250x80xi32, #tpu.memory_space<hbm>> -> memref<1x250x80xi32, #tpu.memory_space<hbm>>
    %dma_start3A_14 = tpu.memref_squeeze %dma_start3A_13 : memref<1x250x80xi32, #tpu.memory_space<hbm>> -> memref<250x80xi32, #tpu.memory_space<hbm>>
    tpu.enqueue_dma source(%dma_start3A_14 : memref<250x80xi32, #tpu.memory_space<hbm>>) target(%arg8 : memref<250x80xi32, #tpu.memory_space<vmem>>) target_semaphore(%arg23 : memref<!tpu.dma_semaphore, #tpu.memory_space<semaphore_mem>>)
    %broadcast_in_dim3A = arith.constant 0.000000e+00 : f32
    %broadcast_in_dim3A_15 = vector.broadcast %broadcast_in_dim3A : f32 to vector<16xf32>
    %broadcast_in_dim3A_16 = arith.constant 1.000000e+00 : f32
    %broadcast_in_dim3A_17 = vector.broadcast %broadcast_in_dim3A_16 : f32 to vector<16xf32>
    %scan3A = arith.constant 0 : i32
    %scan3A_18 = arith.constant 128 : i32
    %scan3A_19 = arith.addi %scan3A, %scan3A_18 : i32
    %scan3A_20 = arith.constant 1 : i32
    scf.for %scan3A_136 = %scan3A to %scan3A_19 step %scan3A_20  : i32 {
      %mul3A_137 = arith.constant 1 : i32
      %mul3A_138 = arith.muli %scan3A_136, %mul3A_137 : i32
      %add3A_139 = arith.constant 0 : i32
      %add3A_140 = arith.addi %add3A_139, %mul3A_138 : i32
      %swap3A = arith.index_cast %add3A_140 : i32 to index
      %swap3A_141 = arith.constant 0 : index
      %swap3A_142 = tpu.vector_load %arg15[%swap3A, %swap3A_141] {strides = array<i32>} : memref<128x64xf32, #tpu.memory_space<vmem>>, vector<16xf32>,
      tpu.vector_store %arg15[%swap3A, %swap3A_141], %broadcast_in_dim3A_15 {strides = array<i32>} : memref<128x64xf32, #tpu.memory_space<vmem>>, vector<16xf32>,
      %swap3A_143 = arith.index_cast %add3A_140 : i32 to index
      %swap3A_144 = arith.constant 16 : index
      %swap3A_145 = tpu.vector_load %arg15[%swap3A_143, %swap3A_144] {strides = array<i32>} : memref<128x64xf32, #tpu.memory_space<vmem>>, vector<16xf32>,
      tpu.vector_store %arg15[%swap3A_143, %swap3A_144], %broadcast_in_dim3A_15 {strides = array<i32>} : memref<128x64xf32, #tpu.memory_space<vmem>>, vector<16xf32>,
      %swap3A_146 = arith.index_cast %add3A_140 : i32 to index
      %swap3A_147 = arith.constant 32 : index
      %swap3A_148 = tpu.vector_load %arg15[%swap3A_146, %swap3A_147] {strides = array<i32>} : memref<128x64xf32, #tpu.memory_space<vmem>>, vector<16xf32>,
      tpu.vector_store %arg15[%swap3A_146, %swap3A_147], %broadcast_in_dim3A_15 {strides = array<i32>} : memref<128x64xf32, #tpu.memory_space<vmem>>, vector<16xf32>,
      %swap3A_149 = arith.index_cast %add3A_140 : i32 to index
      %swap3A_150 = arith.constant 48 : index
      %swap3A_151 = tpu.vector_load %arg15[%swap3A_149, %swap3A_150] {strides = array<i32>} : memref<128x64xf32, #tpu.memory_space<vmem>>, vector<16xf32>,
      tpu.vector_store %arg15[%swap3A_149, %swap3A_150], %broadcast_in_dim3A_15 {strides = array<i32>} : memref<128x64xf32, #tpu.memory_space<vmem>>, vector<16xf32>,
    }
    %scan3A_21 = arith.constant 128 : i32
    %mul3A = arith.constant 640 : i32
    %mul3A_22 = arith.muli %arg1, %mul3A : i32
    %add3A = arith.constant 0 : i32
    %add3A_23 = arith.addi %mul3A_22, %add3A : i32
    %dma_start3A_24 = arith.constant 0 : i32
    %dma_start3A_25 = tpu.memref_slice %arg16[%add3A_23, %dma_start3A_24] : memref<10240x64xf32, #tpu.memory_space<vmem_shared>> -> memref<128x64xf32, #tpu.memory_space<vmem_shared>>
    %dma_start3A_26 = arith.constant 0 : i32
    %dma_start3A_27 = tpu.memref_slice %arg16[%add3A_23, %dma_start3A_26] : memref<10240x64xf32, #tpu.memory_space<vmem_shared>> -> memref<128x64xf32, #tpu.memory_space<vmem_shared>>
    tpu.enqueue_dma source(%arg15 : memref<128x64xf32, #tpu.memory_space<vmem>>) target(%dma_start3A_27 : memref<128x64xf32, #tpu.memory_space<vmem_shared>>) target_semaphore(%arg17 : memref<!tpu.dma_semaphore, #tpu.memory_space<semaphore_mem>>)
    %add3A_28 = arith.constant 128 : i32
    %add3A_29 = arith.addi %mul3A_22, %add3A_28 : i32
    %dma_start3A_30 = arith.constant 0 : i32
    %dma_start3A_31 = tpu.memref_slice %arg16[%add3A_29, %dma_start3A_30] : memref<10240x64xf32, #tpu.memory_space<vmem_shared>> -> memref<128x64xf32, #tpu.memory_space<vmem_shared>>
    %dma_start3A_32 = arith.constant 0 : i32
    %dma_start3A_33 = tpu.memref_slice %arg16[%add3A_29, %dma_start3A_32] : memref<10240x64xf32, #tpu.memory_space<vmem_shared>> -> memref<128x64xf32, #tpu.memory_space<vmem_shared>>
    tpu.enqueue_dma source(%arg15 : memref<128x64xf32, #tpu.memory_space<vmem>>) target(%dma_start3A_33 : memref<128x64xf32, #tpu.memory_space<vmem_shared>>) target_semaphore(%arg18 : memref<!tpu.dma_semaphore, #tpu.memory_space<semaphore_mem>>)
    %add3A_34 = arith.constant 256 : i32
    %add3A_35 = arith.addi %mul3A_22, %add3A_34 : i32
    %dma_start3A_36 = arith.constant 0 : i32
    %dma_start3A_37 = tpu.memref_slice %arg16[%add3A_35, %dma_start3A_36] : memref<10240x64xf32, #tpu.memory_space<vmem_shared>> -> memref<128x64xf32, #tpu.memory_space<vmem_shared>>
    %dma_start3A_38 = arith.constant 0 : i32
    %dma_start3A_39 = tpu.memref_slice %arg16[%add3A_35, %dma_start3A_38] : memref<10240x64xf32, #tpu.memory_space<vmem_shared>> -> memref<128x64xf32, #tpu.memory_space<vmem_shared>>
    tpu.enqueue_dma source(%arg15 : memref<128x64xf32, #tpu.memory_space<vmem>>) target(%dma_start3A_39 : memref<128x64xf32, #tpu.memory_space<vmem_shared>>) target_semaphore(%arg19 : memref<!tpu.dma_semaphore, #tpu.memory_space<semaphore_mem>>)
    %add3A_40 = arith.constant 384 : i32
    %add3A_41 = arith.addi %mul3A_22, %add3A_40 : i32
    %dma_start3A_42 = arith.constant 0 : i32
    %dma_start3A_43 = tpu.memref_slice %arg16[%add3A_41, %dma_start3A_42] : memref<10240x64xf32, #tpu.memory_space<vmem_shared>> -> memref<128x64xf32, #tpu.memory_space<vmem_shared>>
    %dma_start3A_44 = arith.constant 0 : i32
    %dma_start3A_45 = tpu.memref_slice %arg16[%add3A_41, %dma_start3A_44] : memref<10240x64xf32, #tpu.memory_space<vmem_shared>> -> memref<128x64xf32, #tpu.memory_space<vmem_shared>>
    tpu.enqueue_dma source(%arg15 : memref<128x64xf32, #tpu.memory_space<vmem>>) target(%dma_start3A_45 : memref<128x64xf32, #tpu.memory_space<vmem_shared>>) target_semaphore(%arg20 : memref<!tpu.dma_semaphore, #tpu.memory_space<semaphore_mem>>)
    %add3A_46 = arith.constant 512 : i32
    %add3A_47 = arith.addi %mul3A_22, %add3A_46 : i32
    %dma_start3A_48 = arith.constant 0 : i32
    %dma_start3A_49 = tpu.memref_slice %arg16[%add3A_47, %dma_start3A_48] : memref<10240x64xf32, #tpu.memory_space<vmem_shared>> -> memref<128x64xf32, #tpu.memory_space<vmem_shared>>
    %dma_start3A_50 = arith.constant 0 : i32
    %dma_start3A_51 = tpu.memref_slice %arg16[%add3A_47, %dma_start3A_50] : memref<10240x64xf32, #tpu.memory_space<vmem_shared>> -> memref<128x64xf32, #tpu.memory_space<vmem_shared>>
    tpu.enqueue_dma source(%arg15 : memref<128x64xf32, #tpu.memory_space<vmem>>) target(%dma_start3A_51 : memref<128x64xf32, #tpu.memory_space<vmem_shared>>) target_semaphore(%arg21 : memref<!tpu.dma_semaphore, #tpu.memory_space<semaphore_mem>>)
    %scan3A_52 = arith.constant 0 : i32
    %scan3A_53 = arith.constant 640 : i32
    %scan3A_54 = arith.addi %scan3A_52, %scan3A_53 : i32
    %scan3A_55 = arith.constant 1 : i32
    scf.for %scan3A_136 = %scan3A_52 to %scan3A_54 step %scan3A_55  : i32 {
      %mul3A_137 = arith.constant 1 : i32
      %mul3A_138 = arith.muli %scan3A_136, %mul3A_137 : i32
      %add3A_139 = arith.constant 0 : i32
      %add3A_140 = arith.addi %add3A_139, %mul3A_138 : i32
      %mul3A_141 = arith.constant 16 : i32
      %mul3A_142 = arith.muli %add3A_140, %mul3A_141 : i32
      %swap3A = arith.index_cast %mul3A_142 : i32 to index
      %swap3A_143 = tpu.vector_load %arg14[%swap3A] {strides = array<i32>} : memref<10240xf32, #tpu.memory_space<vmem>>, vector<16xf32>,
      tpu.vector_store %arg14[%swap3A], %broadcast_in_dim3A_15 {strides = array<i32>} : memref<10240xf32, #tpu.memory_space<vmem>>, vector<16xf32>,
    }
    %scan3A_56 = arith.constant 640 : i32
    %dma_wait3A = arith.constant 0 : i32
    %dma_wait3A_57 = tpu.memref_slice %arg16[%add3A_23, %dma_wait3A] : memref<10240x64xf32, #tpu.memory_space<vmem_shared>> -> memref<128x64xf32, #tpu.memory_space<vmem_shared>>
    %dma_wait3A_58 = arith.constant 0 : i32
    %dma_wait3A_59 = tpu.memref_slice %arg16[%add3A_23, %dma_wait3A_58] : memref<10240x64xf32, #tpu.memory_space<vmem_shared>> -> memref<128x64xf32, #tpu.memory_space<vmem_shared>>
    tpu.wait_dma2 semaphore(%arg17 : memref<!tpu.dma_semaphore, #tpu.memory_space<semaphore_mem>>) src(%arg15 : memref<128x64xf32, #tpu.memory_space<vmem>>) dst(%dma_wait3A_59 : memref<128x64xf32, #tpu.memory_space<vmem_shared>>)
    %dma_wait3A_60 = arith.constant 0 : i32
    %dma_wait3A_61 = tpu.memref_slice %arg16[%add3A_29, %dma_wait3A_60] : memref<10240x64xf32, #tpu.memory_space<vmem_shared>> -> memref<128x64xf32, #tpu.memory_space<vmem_shared>>
    %dma_wait3A_62 = arith.constant 0 : i32
    %dma_wait3A_63 = tpu.memref_slice %arg16[%add3A_29, %dma_wait3A_62] : memref<10240x64xf32, #tpu.memory_space<vmem_shared>> -> memref<128x64xf32, #tpu.memory_space<vmem_shared>>
    tpu.wait_dma2 semaphore(%arg18 : memref<!tpu.dma_semaphore, #tpu.memory_space<semaphore_mem>>) src(%arg15 : memref<128x64xf32, #tpu.memory_space<vmem>>) dst(%dma_wait3A_63 : memref<128x64xf32, #tpu.memory_space<vmem_shared>>)
    %dma_wait3A_64 = arith.constant 0 : i32
    %dma_wait3A_65 = tpu.memref_slice %arg16[%add3A_35, %dma_wait3A_64] : memref<10240x64xf32, #tpu.memory_space<vmem_shared>> -> memref<128x64xf32, #tpu.memory_space<vmem_shared>>
    %dma_wait3A_66 = arith.constant 0 : i32
    %dma_wait3A_67 = tpu.memref_slice %arg16[%add3A_35, %dma_wait3A_66] : memref<10240x64xf32, #tpu.memory_space<vmem_shared>> -> memref<128x64xf32, #tpu.memory_space<vmem_shared>>
    tpu.wait_dma2 semaphore(%arg19 : memref<!tpu.dma_semaphore, #tpu.memory_space<semaphore_mem>>) src(%arg15 : memref<128x64xf32, #tpu.memory_space<vmem>>) dst(%dma_wait3A_67 : memref<128x64xf32, #tpu.memory_space<vmem_shared>>)
    %dma_wait3A_68 = arith.constant 0 : i32
    %dma_wait3A_69 = tpu.memref_slice %arg16[%add3A_41, %dma_wait3A_68] : memref<10240x64xf32, #tpu.memory_space<vmem_shared>> -> memref<128x64xf32, #tpu.memory_space<vmem_shared>>
    %dma_wait3A_70 = arith.constant 0 : i32
    %dma_wait3A_71 = tpu.memref_slice %arg16[%add3A_41, %dma_wait3A_70] : memref<10240x64xf32, #tpu.memory_space<vmem_shared>> -> memref<128x64xf32, #tpu.memory_space<vmem_shared>>
    tpu.wait_dma2 semaphore(%arg20 : memref<!tpu.dma_semaphore, #tpu.memory_space<semaphore_mem>>) src(%arg15 : memref<128x64xf32, #tpu.memory_space<vmem>>) dst(%dma_wait3A_71 : memref<128x64xf32, #tpu.memory_space<vmem_shared>>)
    %dma_wait3A_72 = arith.constant 0 : i32
    %dma_wait3A_73 = tpu.memref_slice %arg16[%add3A_47, %dma_wait3A_72] : memref<10240x64xf32, #tpu.memory_space<vmem_shared>> -> memref<128x64xf32, #tpu.memory_space<vmem_shared>>
    %dma_wait3A_74 = arith.constant 0 : i32
    %dma_wait3A_75 = tpu.memref_slice %arg16[%add3A_47, %dma_wait3A_74] : memref<10240x64xf32, #tpu.memory_space<vmem_shared>> -> memref<128x64xf32, #tpu.memory_space<vmem_shared>>
    tpu.wait_dma2 semaphore(%arg21 : memref<!tpu.dma_semaphore, #tpu.memory_space<semaphore_mem>>) src(%arg15 : memref<128x64xf32, #tpu.memory_space<vmem>>) dst(%dma_wait3A_75 : memref<128x64xf32, #tpu.memory_space<vmem_shared>>)
    %dma_wait3A_76 = arith.constant 0 : i32
    %dma_wait3A_77 = arith.constant 0 : i32
    %dma_wait3A_78 = tpu.memref_slice %arg3[%arg0, %arg1, %dma_wait3A_76, %dma_wait3A_77] : memref<2x16x250x80xi32, #tpu.memory_space<hbm>> -> memref<1x1x250x80xi32, #tpu.memory_space<hbm>>
    %dma_wait3A_79 = tpu.memref_squeeze %dma_wait3A_78 : memref<1x1x250x80xi32, #tpu.memory_space<hbm>> -> memref<250x80xi32, #tpu.memory_space<hbm>>
    %dma_wait3A_80 = arith.constant 0 : i32
    %dma_wait3A_81 = arith.constant 0 : i32
    %dma_wait3A_82 = tpu.memref_slice %arg3[%arg0, %arg1, %dma_wait3A_80, %dma_wait3A_81] : memref<2x16x250x80xi32, #tpu.memory_space<hbm>> -> memref<1x1x250x80xi32, #tpu.memory_space<hbm>>
    %dma_wait3A_83 = tpu.memref_squeeze %dma_wait3A_82 : memref<1x1x250x80xi32, #tpu.memory_space<hbm>> -> memref<250x80xi32, #tpu.memory_space<hbm>>
    tpu.wait_dma2 semaphore(%arg22 : memref<!tpu.dma_semaphore, #tpu.memory_space<semaphore_mem>>) src(%dma_wait3A_83 : memref<250x80xi32, #tpu.memory_space<hbm>>) dst(%arg7 : memref<250x80xi32, #tpu.memory_space<vmem>>)
    %dma_wait3A_84 = arith.constant 0 : i32
    %dma_wait3A_85 = arith.constant 0 : i32
    %dma_wait3A_86 = tpu.memref_slice %arg4[%arg1, %dma_wait3A_84, %dma_wait3A_85] : memref<16x250x80xi32, #tpu.memory_space<hbm>> -> memref<1x250x80xi32, #tpu.memory_space<hbm>>
    %dma_wait3A_87 = tpu.memref_squeeze %dma_wait3A_86 : memref<1x250x80xi32, #tpu.memory_space<hbm>> -> memref<250x80xi32, #tpu.memory_space<hbm>>
    %dma_wait3A_88 = arith.constant 0 : i32
    %dma_wait3A_89 = arith.constant 0 : i32
    %dma_wait3A_90 = tpu.memref_slice %arg4[%arg1, %dma_wait3A_88, %dma_wait3A_89] : memref<16x250x80xi32, #tpu.memory_space<hbm>> -> memref<1x250x80xi32, #tpu.memory_space<hbm>>
    %dma_wait3A_91 = tpu.memref_squeeze %dma_wait3A_90 : memref<1x250x80xi32, #tpu.memory_space<hbm>> -> memref<250x80xi32, #tpu.memory_space<hbm>>
    tpu.wait_dma2 semaphore(%arg23 : memref<!tpu.dma_semaphore, #tpu.memory_space<semaphore_mem>>) src(%dma_wait3A_91 : memref<250x80xi32, #tpu.memory_space<hbm>>) dst(%arg8 : memref<250x80xi32, #tpu.memory_space<vmem>>)
    %barrier3A = arith.constant 0 : index
    tpu.barrier barrier_id(%barrier3A)
    %dma_start3A_92 = arith.constant 0 : i32
    %dma_start3A_93 = arith.constant 0 : i32
    %dma_start3A_94 = tpu.memref_slice %arg7[%dma_start3A_92, %dma_start3A_93] : memref<250x80xi32, #tpu.memory_space<vmem>> -> memref<1x80xi32, #tpu.memory_space<vmem>>
    %dma_start3A_95 = tpu.memref_squeeze %dma_start3A_94 : memref<1x80xi32, #tpu.memory_space<vmem>> -> memref<80xi32, #tpu.memory_space<vmem>>
    %dma_start3A_96 = arith.constant 0 : i32
    %dma_start3A_97 = arith.constant 0 : i32
    %dma_start3A_98 = tpu.memref_slice %arg2[%dma_start3A_96, %dma_start3A_97] : memref<20000x64xf32, #tpu.memory_space<hbm>> -> memref<20000x64xf32, #tpu.memory_space<hbm>>
    tpu.enqueue_indirect_dma source(%dma_start3A_98 : memref<20000x64xf32, #tpu.memory_space<hbm>>) target(%arg9 : memref<80x64xf32, #tpu.memory_space<vmem>>) offsets(%dma_start3A_95 : memref<80xi32, #tpu.memory_space<vmem>>) semaphore(%arg17 : memref<!tpu.dma_semaphore, #tpu.memory_space<semaphore_mem>>)
    %dma_start3A_99 = arith.constant 1 : i32
    %dma_start3A_100 = arith.constant 0 : i32
    %dma_start3A_101 = tpu.memref_slice %arg7[%dma_start3A_99, %dma_start3A_100] : memref<250x80xi32, #tpu.memory_space<vmem>> -> memref<1x80xi32, #tpu.memory_space<vmem>>
    %dma_start3A_102 = tpu.memref_squeeze %dma_start3A_101 : memref<1x80xi32, #tpu.memory_space<vmem>> -> memref<80xi32, #tpu.memory_space<vmem>>
    %dma_start3A_103 = arith.constant 0 : i32
    %dma_start3A_104 = arith.constant 0 : i32
    %dma_start3A_105 = tpu.memref_slice %arg2[%dma_start3A_103, %dma_start3A_104] : memref<20000x64xf32, #tpu.memory_space<hbm>> -> memref<20000x64xf32, #tpu.memory_space<hbm>>
    tpu.enqueue_indirect_dma source(%dma_start3A_105 : memref<20000x64xf32, #tpu.memory_space<hbm>>) target(%arg10 : memref<80x64xf32, #tpu.memory_space<vmem>>) offsets(%dma_start3A_102 : memref<80xi32, #tpu.memory_space<vmem>>) semaphore(%arg18 : memref<!tpu.dma_semaphore, #tpu.memory_space<semaphore_mem>>)
    %dma_start3A_106 = arith.constant 2 : i32
    %dma_start3A_107 = arith.constant 0 : i32
    %dma_start3A_108 = tpu.memref_slice %arg7[%dma_start3A_106, %dma_start3A_107] : memref<250x80xi32, #tpu.memory_space<vmem>> -> memref<1x80xi32, #tpu.memory_space<vmem>>
    %dma_start3A_109 = tpu.memref_squeeze %dma_start3A_108 : memref<1x80xi32, #tpu.memory_space<vmem>> -> memref<80xi32, #tpu.memory_space<vmem>>
    %dma_start3A_110 = arith.constant 0 : i32
    %dma_start3A_111 = arith.constant 0 : i32
    %dma_start3A_112 = tpu.memref_slice %arg2[%dma_start3A_110, %dma_start3A_111] : memref<20000x64xf32, #tpu.memory_space<hbm>> -> memref<20000x64xf32, #tpu.memory_space<hbm>>
    tpu.enqueue_indirect_dma source(%dma_start3A_112 : memref<20000x64xf32, #tpu.memory_space<hbm>>) target(%arg11 : memref<80x64xf32, #tpu.memory_space<vmem>>) offsets(%dma_start3A_109 : memref<80xi32, #tpu.memory_space<vmem>>) semaphore(%arg19 : memref<!tpu.dma_semaphore, #tpu.memory_space<semaphore_mem>>)
    %scan3A_113 = arith.constant 0 : i32
    %scan3A_114 = arith.constant 50 : i32
    %scan3A_115 = arith.addi %scan3A_113, %scan3A_114 : i32
    %scan3A_116 = arith.constant 1 : i32
    scf.for %scan3A_136 = %scan3A_113 to %scan3A_115 step %scan3A_116  : i32 {
      %mul3A_137 = arith.constant 5 : i32
      %mul3A_138 = arith.muli %scan3A_136, %mul3A_137 : i32
      %add3A_139 = arith.constant 0 : i32
      %add3A_140 = arith.addi %add3A_139, %mul3A_138 : i32
      %add3A_141 = arith.constant 0 : i32
      %add3A_142 = arith.addi %add3A_140, %add3A_141 : i32
      %dma_wait3A_143 = arith.constant 0 : i32
      %dma_wait3A_144 = tpu.memref_slice %arg7[%add3A_142, %dma_wait3A_143] : memref<250x80xi32, #tpu.memory_space<vmem>> -> memref<1x80xi32, #tpu.memory_space<vmem>>
      %dma_wait3A_145 = tpu.memref_squeeze %dma_wait3A_144 : memref<1x80xi32, #tpu.memory_space<vmem>> -> memref<80xi32, #tpu.memory_space<vmem>>
      %dma_wait3A_146 = arith.constant 0 : i32
      %dma_wait3A_147 = arith.constant 0 : i32
      %dma_wait3A_148 = tpu.memref_slice %arg2[%dma_wait3A_146, %dma_wait3A_147] : memref<20000x64xf32, #tpu.memory_space<hbm>> -> memref<20000x64xf32, #tpu.memory_space<hbm>>
      tpu.wait_indirect_dma semaphore(%arg17 : memref<!tpu.dma_semaphore, #tpu.memory_space<semaphore_mem>>) src(%dma_wait3A_148 : memref<20000x64xf32, #tpu.memory_space<hbm>>) dst(%arg9 : memref<80x64xf32, #tpu.memory_space<vmem>>)
      %dma_start3A_149 = arith.constant 0 : i32
      %dma_start3A_150 = tpu.memref_slice %arg8[%add3A_142, %dma_start3A_149] : memref<250x80xi32, #tpu.memory_space<vmem>> -> memref<1x80xi32, #tpu.memory_space<vmem>>
      %dma_start3A_151 = tpu.memref_squeeze %dma_start3A_150 : memref<1x80xi32, #tpu.memory_space<vmem>> -> memref<80xi32, #tpu.memory_space<vmem>>
      %dma_start3A_152 = arith.constant 0 : i32
      %dma_start3A_153 = arith.constant 0 : i32
      %dma_start3A_154 = tpu.memref_slice %arg16[%dma_start3A_152, %dma_start3A_153] : memref<10240x64xf32, #tpu.memory_space<vmem_shared>> -> memref<10240x64xf32, #tpu.memory_space<vmem_shared>>
      tpu.enqueue_indirect_dma source(%arg9 : memref<80x64xf32, #tpu.memory_space<vmem>>) target(%dma_start3A_154 : memref<10240x64xf32, #tpu.memory_space<vmem_shared>>) offsets(%dma_start3A_151 : memref<80xi32, #tpu.memory_space<vmem>>) semaphore(%arg22 : memref<!tpu.dma_semaphore, #tpu.memory_space<semaphore_mem>>) {add = true}
      %get3A = arith.index_cast %add3A_142 : i32 to index
      %get3A_155 = arith.constant 0 : index
      %get3A_156 = tpu.vector_load %arg8[%get3A, %get3A_155] {strides = array<i32>} : memref<250x80xi32, #tpu.memory_space<vmem>>, vector<16xi32>,
      tpu.vector_store_idx %arg14[%get3A_156], %broadcast_in_dim3A_17 {add = true} : memref<10240xf32, #tpu.memory_space<vmem>>[vector<16xi32>], vector<16xf32>,
      %get3A_157 = arith.index_cast %add3A_142 : i32 to index
      %get3A_158 = arith.constant 16 : index
      %get3A_159 = tpu.vector_load %arg8[%get3A_157, %get3A_158] {strides = array<i32>} : memref<250x80xi32, #tpu.memory_space<vmem>>, vector<16xi32>,
      tpu.vector_store_idx %arg14[%get3A_159], %broadcast_in_dim3A_17 {add = true} : memref<10240xf32, #tpu.memory_space<vmem>>[vector<16xi32>], vector<16xf32>,
      %get3A_160 = arith.index_cast %add3A_142 : i32 to index
      %get3A_161 = arith.constant 32 : index
      %get3A_162 = tpu.vector_load %arg8[%get3A_160, %get3A_161] {strides = array<i32>} : memref<250x80xi32, #tpu.memory_space<vmem>>, vector<16xi32>,
      tpu.vector_store_idx %arg14[%get3A_162], %broadcast_in_dim3A_17 {add = true} : memref<10240xf32, #tpu.memory_space<vmem>>[vector<16xi32>], vector<16xf32>,
      %get3A_163 = arith.index_cast %add3A_142 : i32 to index
      %get3A_164 = arith.constant 48 : index
      %get3A_165 = tpu.vector_load %arg8[%get3A_163, %get3A_164] {strides = array<i32>} : memref<250x80xi32, #tpu.memory_space<vmem>>, vector<16xi32>,
      tpu.vector_store_idx %arg14[%get3A_165], %broadcast_in_dim3A_17 {add = true} : memref<10240xf32, #tpu.memory_space<vmem>>[vector<16xi32>], vector<16xf32>,
      %get3A_166 = arith.index_cast %add3A_142 : i32 to index
      %get3A_167 = arith.constant 64 : index
      %get3A_168 = tpu.vector_load %arg8[%get3A_166, %get3A_167] {strides = array<i32>} : memref<250x80xi32, #tpu.memory_space<vmem>>, vector<16xi32>,
      tpu.vector_store_idx %arg14[%get3A_168], %broadcast_in_dim3A_17 {add = true} : memref<10240xf32, #tpu.memory_space<vmem>>[vector<16xi32>], vector<16xf32>,
      %gt3A = arith.constant 0 : i32
      %gt3A_169 = arith.cmpi sgt, %add3A_140, %gt3A : i32
      %convert_element_type3A = arith.extui %gt3A_169 : i1 to i32
      %cond3A = arith.constant 0 : i32
      %cond3A_170 = arith.cmpi ne, %convert_element_type3A, %cond3A : i32
      scf.if %cond3A_170 {
        %sub3A_349 = arith.constant 2 : i32
        %sub3A_350 = arith.subi %add3A_142, %sub3A_349 : i32
        %dma_wait3A_351 = arith.constant 0 : i32
        %dma_wait3A_352 = tpu.memref_slice %arg8[%sub3A_350, %dma_wait3A_351] : memref<250x80xi32, #tpu.memory_space<vmem>> -> memref<1x80xi32, #tpu.memory_space<vmem>>
        %dma_wait3A_353 = tpu.memref_squeeze %dma_wait3A_352 : memref<1x80xi32, #tpu.memory_space<vmem>> -> memref<80xi32, #tpu.memory_space<vmem>>
        %dma_wait3A_354 = arith.constant 0 : i32
        %dma_wait3A_355 = arith.constant 0 : i32
        %dma_wait3A_356 = tpu.memref_slice %arg16[%dma_wait3A_354, %dma_wait3A_355] : memref<10240x64xf32, #tpu.memory_space<vmem_shared>> -> memref<10240x64xf32, #tpu.memory_space<vmem_shared>>
        tpu.wait_indirect_dma semaphore(%arg25 : memref<!tpu.dma_semaphore, #tpu.memory_space<semaphore_mem>>) src(%arg12 : memref<80x64xf32, #tpu.memory_space<vmem>>) dst(%dma_wait3A_356 : memref<10240x64xf32, #tpu.memory_space<vmem_shared>>)
      } else {
      }
      %add3A_171 = arith.constant 3 : i32
      %add3A_172 = arith.addi %add3A_142, %add3A_171 : i32
      %lt3A = arith.constant 250 : i32
      %lt3A_173 = arith.cmpi slt, %add3A_172, %lt3A : i32
      %convert_element_type3A_174 = arith.extui %lt3A_173 : i1 to i32
      %cond3A_175 = arith.constant 0 : i32
      %cond3A_176 = arith.cmpi ne, %convert_element_type3A_174, %cond3A_175 : i32
      scf.if %cond3A_176 {
        %add3A_349 = arith.constant 3 : i32
        %add3A_350 = arith.addi %add3A_142, %add3A_349 : i32
        %dma_start3A_351 = arith.constant 0 : i32
        %dma_start3A_352 = tpu.memref_slice %arg7[%add3A_350, %dma_start3A_351] : memref<250x80xi32, #tpu.memory_space<vmem>> -> memref<1x80xi32, #tpu.memory_space<vmem>>
        %dma_start3A_353 = tpu.memref_squeeze %dma_start3A_352 : memref<1x80xi32, #tpu.memory_space<vmem>> -> memref<80xi32, #tpu.memory_space<vmem>>
        %dma_start3A_354 = arith.constant 0 : i32
        %dma_start3A_355 = arith.constant 0 : i32
        %dma_start3A_356 = tpu.memref_slice %arg2[%dma_start3A_354, %dma_start3A_355] : memref<20000x64xf32, #tpu.memory_space<hbm>> -> memref<20000x64xf32, #tpu.memory_space<hbm>>
        tpu.enqueue_indirect_dma source(%dma_start3A_356 : memref<20000x64xf32, #tpu.memory_space<hbm>>) target(%arg12 : memref<80x64xf32, #tpu.memory_space<vmem>>) offsets(%dma_start3A_353 : memref<80xi32, #tpu.memory_space<vmem>>) semaphore(%arg20 : memref<!tpu.dma_semaphore, #tpu.memory_space<semaphore_mem>>)
      } else {
      }
      %add3A_177 = arith.constant 1 : i32
      %add3A_178 = arith.addi %add3A_140, %add3A_177 : i32
      %dma_wait3A_179 = arith.constant 0 : i32
      %dma_wait3A_180 = tpu.memref_slice %arg7[%add3A_178, %dma_wait3A_179] : memref<250x80xi32, #tpu.memory_space<vmem>> -> memref<1x80xi32, #tpu.memory_space<vmem>>
      %dma_wait3A_181 = tpu.memref_squeeze %dma_wait3A_180 : memref<1x80xi32, #tpu.memory_space<vmem>> -> memref<80xi32, #tpu.memory_space<vmem>>
      %dma_wait3A_182 = arith.constant 0 : i32
      %dma_wait3A_183 = arith.constant 0 : i32
      %dma_wait3A_184 = tpu.memref_slice %arg2[%dma_wait3A_182, %dma_wait3A_183] : memref<20000x64xf32, #tpu.memory_space<hbm>> -> memref<20000x64xf32, #tpu.memory_space<hbm>>
      tpu.wait_indirect_dma semaphore(%arg18 : memref<!tpu.dma_semaphore, #tpu.memory_space<semaphore_mem>>) src(%dma_wait3A_184 : memref<20000x64xf32, #tpu.memory_space<hbm>>) dst(%arg10 : memref<80x64xf32, #tpu.memory_space<vmem>>)
      %dma_start3A_185 = arith.constant 0 : i32
      %dma_start3A_186 = tpu.memref_slice %arg8[%add3A_178, %dma_start3A_185] : memref<250x80xi32, #tpu.memory_space<vmem>> -> memref<1x80xi32, #tpu.memory_space<vmem>>
      %dma_start3A_187 = tpu.memref_squeeze %dma_start3A_186 : memref<1x80xi32, #tpu.memory_space<vmem>> -> memref<80xi32, #tpu.memory_space<vmem>>
      %dma_start3A_188 = arith.constant 0 : i32
      %dma_start3A_189 = arith.constant 0 : i32
      %dma_start3A_190 = tpu.memref_slice %arg16[%dma_start3A_188, %dma_start3A_189] : memref<10240x64xf32, #tpu.memory_space<vmem_shared>> -> memref<10240x64xf32, #tpu.memory_space<vmem_shared>>
      tpu.enqueue_indirect_dma source(%arg10 : memref<80x64xf32, #tpu.memory_space<vmem>>) target(%dma_start3A_190 : memref<10240x64xf32, #tpu.memory_space<vmem_shared>>) offsets(%dma_start3A_187 : memref<80xi32, #tpu.memory_space<vmem>>) semaphore(%arg23 : memref<!tpu.dma_semaphore, #tpu.memory_space<semaphore_mem>>) {add = true}
      %get3A_191 = arith.index_cast %add3A_178 : i32 to index
      %get3A_192 = arith.constant 0 : index
      %get3A_193 = tpu.vector_load %arg8[%get3A_191, %get3A_192] {strides = array<i32>} : memref<250x80xi32, #tpu.memory_space<vmem>>, vector<16xi32>,
      tpu.vector_store_idx %arg14[%get3A_193], %broadcast_in_dim3A_17 {add = true} : memref<10240xf32, #tpu.memory_space<vmem>>[vector<16xi32>], vector<16xf32>,
      %get3A_194 = arith.index_cast %add3A_178 : i32 to index
      %get3A_195 = arith.constant 16 : index
      %get3A_196 = tpu.vector_load %arg8[%get3A_194, %get3A_195] {strides = array<i32>} : memref<250x80xi32, #tpu.memory_space<vmem>>, vector<16xi32>,
      tpu.vector_store_idx %arg14[%get3A_196], %broadcast_in_dim3A_17 {add = true} : memref<10240xf32, #tpu.memory_space<vmem>>[vector<16xi32>], vector<16xf32>,
      %get3A_197 = arith.index_cast %add3A_178 : i32 to index
      %get3A_198 = arith.constant 32 : index
      %get3A_199 = tpu.vector_load %arg8[%get3A_197, %get3A_198] {strides = array<i32>} : memref<250x80xi32, #tpu.memory_space<vmem>>, vector<16xi32>,
      tpu.vector_store_idx %arg14[%get3A_199], %broadcast_in_dim3A_17 {add = true} : memref<10240xf32, #tpu.memory_space<vmem>>[vector<16xi32>], vector<16xf32>,
      %get3A_200 = arith.index_cast %add3A_178 : i32 to index
      %get3A_201 = arith.constant 48 : index
      %get3A_202 = tpu.vector_load %arg8[%get3A_200, %get3A_201] {strides = array<i32>} : memref<250x80xi32, #tpu.memory_space<vmem>>, vector<16xi32>,
      tpu.vector_store_idx %arg14[%get3A_202], %broadcast_in_dim3A_17 {add = true} : memref<10240xf32, #tpu.memory_space<vmem>>[vector<16xi32>], vector<16xf32>,
      %get3A_203 = arith.index_cast %add3A_178 : i32 to index
      %get3A_204 = arith.constant 64 : index
      %get3A_205 = tpu.vector_load %arg8[%get3A_203, %get3A_204] {strides = array<i32>} : memref<250x80xi32, #tpu.memory_space<vmem>>, vector<16xi32>,
      tpu.vector_store_idx %arg14[%get3A_205], %broadcast_in_dim3A_17 {add = true} : memref<10240xf32, #tpu.memory_space<vmem>>[vector<16xi32>], vector<16xf32>,
      %gt3A_206 = arith.constant 0 : i32
      %gt3A_207 = arith.cmpi sgt, %add3A_140, %gt3A_206 : i32
      %convert_element_type3A_208 = arith.extui %gt3A_207 : i1 to i32
      %cond3A_209 = arith.constant 0 : i32
      %cond3A_210 = arith.cmpi ne, %convert_element_type3A_208, %cond3A_209 : i32
      scf.if %cond3A_210 {
        %sub3A_349 = arith.constant 2 : i32
        %sub3A_350 = arith.subi %add3A_178, %sub3A_349 : i32
        %dma_wait3A_351 = arith.constant 0 : i32
        %dma_wait3A_352 = tpu.memref_slice %arg8[%sub3A_350, %dma_wait3A_351] : memref<250x80xi32, #tpu.memory_space<vmem>> -> memref<1x80xi32, #tpu.memory_space<vmem>>
        %dma_wait3A_353 = tpu.memref_squeeze %dma_wait3A_352 : memref<1x80xi32, #tpu.memory_space<vmem>> -> memref<80xi32, #tpu.memory_space<vmem>>
        %dma_wait3A_354 = arith.constant 0 : i32
        %dma_wait3A_355 = arith.constant 0 : i32
        %dma_wait3A_356 = tpu.memref_slice %arg16[%dma_wait3A_354, %dma_wait3A_355] : memref<10240x64xf32, #tpu.memory_space<vmem_shared>> -> memref<10240x64xf32, #tpu.memory_space<vmem_shared>>
        tpu.wait_indirect_dma semaphore(%arg26 : memref<!tpu.dma_semaphore, #tpu.memory_space<semaphore_mem>>) src(%arg13 : memref<80x64xf32, #tpu.memory_space<vmem>>) dst(%dma_wait3A_356 : memref<10240x64xf32, #tpu.memory_space<vmem_shared>>)
      } else {
      }
      %add3A_211 = arith.constant 3 : i32
      %add3A_212 = arith.addi %add3A_178, %add3A_211 : i32
      %lt3A_213 = arith.constant 250 : i32
      %lt3A_214 = arith.cmpi slt, %add3A_212, %lt3A_213 : i32
      %convert_element_type3A_215 = arith.extui %lt3A_214 : i1 to i32
      %cond3A_216 = arith.constant 0 : i32
      %cond3A_217 = arith.cmpi ne, %convert_element_type3A_215, %cond3A_216 : i32
      scf.if %cond3A_217 {
        %add3A_349 = arith.constant 3 : i32
        %add3A_350 = arith.addi %add3A_178, %add3A_349 : i32
        %dma_start3A_351 = arith.constant 0 : i32
        %dma_start3A_352 = tpu.memref_slice %arg7[%add3A_350, %dma_start3A_351] : memref<250x80xi32, #tpu.memory_space<vmem>> -> memref<1x80xi32, #tpu.memory_space<vmem>>
        %dma_start3A_353 = tpu.memref_squeeze %dma_start3A_352 : memref<1x80xi32, #tpu.memory_space<vmem>> -> memref<80xi32, #tpu.memory_space<vmem>>
        %dma_start3A_354 = arith.constant 0 : i32
        %dma_start3A_355 = arith.constant 0 : i32
        %dma_start3A_356 = tpu.memref_slice %arg2[%dma_start3A_354, %dma_start3A_355] : memref<20000x64xf32, #tpu.memory_space<hbm>> -> memref<20000x64xf32, #tpu.memory_space<hbm>>
        tpu.enqueue_indirect_dma source(%dma_start3A_356 : memref<20000x64xf32, #tpu.memory_space<hbm>>) target(%arg13 : memref<80x64xf32, #tpu.memory_space<vmem>>) offsets(%dma_start3A_353 : memref<80xi32, #tpu.memory_space<vmem>>) semaphore(%arg21 : memref<!tpu.dma_semaphore, #tpu.memory_space<semaphore_mem>>)
      } else {
      }
      %add3A_218 = arith.constant 2 : i32
      %add3A_219 = arith.addi %add3A_140, %add3A_218 : i32
      %dma_wait3A_220 = arith.constant 0 : i32
      %dma_wait3A_221 = tpu.memref_slice %arg7[%add3A_219, %dma_wait3A_220] : memref<250x80xi32, #tpu.memory_space<vmem>> -> memref<1x80xi32, #tpu.memory_space<vmem>>
      %dma_wait3A_222 = tpu.memref_squeeze %dma_wait3A_221 : memref<1x80xi32, #tpu.memory_space<vmem>> -> memref<80xi32, #tpu.memory_space<vmem>>
      %dma_wait3A_223 = arith.constant 0 : i32
      %dma_wait3A_224 = arith.constant 0 : i32
      %dma_wait3A_225 = tpu.memref_slice %arg2[%dma_wait3A_223, %dma_wait3A_224] : memref<20000x64xf32, #tpu.memory_space<hbm>> -> memref<20000x64xf32, #tpu.memory_space<hbm>>
      tpu.wait_indirect_dma semaphore(%arg19 : memref<!tpu.dma_semaphore, #tpu.memory_space<semaphore_mem>>) src(%dma_wait3A_225 : memref<20000x64xf32, #tpu.memory_space<hbm>>) dst(%arg11 : memref<80x64xf32, #tpu.memory_space<vmem>>)
      %dma_start3A_226 = arith.constant 0 : i32
      %dma_start3A_227 = tpu.memref_slice %arg8[%add3A_219, %dma_start3A_226] : memref<250x80xi32, #tpu.memory_space<vmem>> -> memref<1x80xi32, #tpu.memory_space<vmem>>
      %dma_start3A_228 = tpu.memref_squeeze %dma_start3A_227 : memref<1x80xi32, #tpu.memory_space<vmem>> -> memref<80xi32, #tpu.memory_space<vmem>>
      %dma_start3A_229 = arith.constant 0 : i32
      %dma_start3A_230 = arith.constant 0 : i32
      %dma_start3A_231 = tpu.memref_slice %arg16[%dma_start3A_229, %dma_start3A_230] : memref<10240x64xf32, #tpu.memory_space<vmem_shared>> -> memref<10240x64xf32, #tpu.memory_space<vmem_shared>>
      tpu.enqueue_indirect_dma source(%arg11 : memref<80x64xf32, #tpu.memory_space<vmem>>) target(%dma_start3A_231 : memref<10240x64xf32, #tpu.memory_space<vmem_shared>>) offsets(%dma_start3A_228 : memref<80xi32, #tpu.memory_space<vmem>>) semaphore(%arg24 : memref<!tpu.dma_semaphore, #tpu.memory_space<semaphore_mem>>) {add = true}
      %get3A_232 = arith.index_cast %add3A_219 : i32 to index
      %get3A_233 = arith.constant 0 : index
      %get3A_234 = tpu.vector_load %arg8[%get3A_232, %get3A_233] {strides = array<i32>} : memref<250x80xi32, #tpu.memory_space<vmem>>, vector<16xi32>,
      tpu.vector_store_idx %arg14[%get3A_234], %broadcast_in_dim3A_17 {add = true} : memref<10240xf32, #tpu.memory_space<vmem>>[vector<16xi32>], vector<16xf32>,
      %get3A_235 = arith.index_cast %add3A_219 : i32 to index
      %get3A_236 = arith.constant 16 : index
      %get3A_237 = tpu.vector_load %arg8[%get3A_235, %get3A_236] {strides = array<i32>} : memref<250x80xi32, #tpu.memory_space<vmem>>, vector<16xi32>,
      tpu.vector_store_idx %arg14[%get3A_237], %broadcast_in_dim3A_17 {add = true} : memref<10240xf32, #tpu.memory_space<vmem>>[vector<16xi32>], vector<16xf32>,
      %get3A_238 = arith.index_cast %add3A_219 : i32 to index
      %get3A_239 = arith.constant 32 : index
      %get3A_240 = tpu.vector_load %arg8[%get3A_238, %get3A_239] {strides = array<i32>} : memref<250x80xi32, #tpu.memory_space<vmem>>, vector<16xi32>,
      tpu.vector_store_idx %arg14[%get3A_240], %broadcast_in_dim3A_17 {add = true} : memref<10240xf32, #tpu.memory_space<vmem>>[vector<16xi32>], vector<16xf32>,
      %get3A_241 = arith.index_cast %add3A_219 : i32 to index
      %get3A_242 = arith.constant 48 : index
      %get3A_243 = tpu.vector_load %arg8[%get3A_241, %get3A_242] {strides = array<i32>} : memref<250x80xi32, #tpu.memory_space<vmem>>, vector<16xi32>,
      tpu.vector_store_idx %arg14[%get3A_243], %broadcast_in_dim3A_17 {add = true} : memref<10240xf32, #tpu.memory_space<vmem>>[vector<16xi32>], vector<16xf32>,
      %get3A_244 = arith.index_cast %add3A_219 : i32 to index
      %get3A_245 = arith.constant 64 : index
      %get3A_246 = tpu.vector_load %arg8[%get3A_244, %get3A_245] {strides = array<i32>} : memref<250x80xi32, #tpu.memory_space<vmem>>, vector<16xi32>,
      tpu.vector_store_idx %arg14[%get3A_246], %broadcast_in_dim3A_17 {add = true} : memref<10240xf32, #tpu.memory_space<vmem>>[vector<16xi32>], vector<16xf32>,
      %sub3A = arith.constant 2 : i32
      %sub3A_247 = arith.subi %add3A_219, %sub3A : i32
      %dma_wait3A_248 = arith.constant 0 : i32
      %dma_wait3A_249 = tpu.memref_slice %arg8[%sub3A_247, %dma_wait3A_248] : memref<250x80xi32, #tpu.memory_space<vmem>> -> memref<1x80xi32, #tpu.memory_space<vmem>>
      %dma_wait3A_250 = tpu.memref_squeeze %dma_wait3A_249 : memref<1x80xi32, #tpu.memory_space<vmem>> -> memref<80xi32, #tpu.memory_space<vmem>>
      %dma_wait3A_251 = arith.constant 0 : i32
      %dma_wait3A_252 = arith.constant 0 : i32
      %dma_wait3A_253 = tpu.memref_slice %arg16[%dma_wait3A_251, %dma_wait3A_252] : memref<10240x64xf32, #tpu.memory_space<vmem_shared>> -> memref<10240x64xf32, #tpu.memory_space<vmem_shared>>
      tpu.wait_indirect_dma semaphore(%arg22 : memref<!tpu.dma_semaphore, #tpu.memory_space<semaphore_mem>>) src(%arg9 : memref<80x64xf32, #tpu.memory_space<vmem>>) dst(%dma_wait3A_253 : memref<10240x64xf32, #tpu.memory_space<vmem_shared>>)
      %add3A_254 = arith.constant 3 : i32
      %add3A_255 = arith.addi %add3A_219, %add3A_254 : i32
      %lt3A_256 = arith.constant 250 : i32
      %lt3A_257 = arith.cmpi slt, %add3A_255, %lt3A_256 : i32
      %convert_element_type3A_258 = arith.extui %lt3A_257 : i1 to i32
      %cond3A_259 = arith.constant 0 : i32
      %cond3A_260 = arith.cmpi ne, %convert_element_type3A_258, %cond3A_259 : i32
      scf.if %cond3A_260 {
        %add3A_349 = arith.constant 3 : i32
        %add3A_350 = arith.addi %add3A_219, %add3A_349 : i32
        %dma_start3A_351 = arith.constant 0 : i32
        %dma_start3A_352 = tpu.memref_slice %arg7[%add3A_350, %dma_start3A_351] : memref<250x80xi32, #tpu.memory_space<vmem>> -> memref<1x80xi32, #tpu.memory_space<vmem>>
        %dma_start3A_353 = tpu.memref_squeeze %dma_start3A_352 : memref<1x80xi32, #tpu.memory_space<vmem>> -> memref<80xi32, #tpu.memory_space<vmem>>
        %dma_start3A_354 = arith.constant 0 : i32
        %dma_start3A_355 = arith.constant 0 : i32
        %dma_start3A_356 = tpu.memref_slice %arg2[%dma_start3A_354, %dma_start3A_355] : memref<20000x64xf32, #tpu.memory_space<hbm>> -> memref<20000x64xf32, #tpu.memory_space<hbm>>
        tpu.enqueue_indirect_dma source(%dma_start3A_356 : memref<20000x64xf32, #tpu.memory_space<hbm>>) target(%arg9 : memref<80x64xf32, #tpu.memory_space<vmem>>) offsets(%dma_start3A_353 : memref<80xi32, #tpu.memory_space<vmem>>) semaphore(%arg17 : memref<!tpu.dma_semaphore, #tpu.memory_space<semaphore_mem>>)
      } else {
      }
      %add3A_261 = arith.constant 3 : i32
      %add3A_262 = arith.addi %add3A_140, %add3A_261 : i32
      %dma_wait3A_263 = arith.constant 0 : i32
      %dma_wait3A_264 = tpu.memref_slice %arg7[%add3A_262, %dma_wait3A_263] : memref<250x80xi32, #tpu.memory_space<vmem>> -> memref<1x80xi32, #tpu.memory_space<vmem>>
      %dma_wait3A_265 = tpu.memref_squeeze %dma_wait3A_264 : memref<1x80xi32, #tpu.memory_space<vmem>> -> memref<80xi32, #tpu.memory_space<vmem>>
      %dma_wait3A_266 = arith.constant 0 : i32
      %dma_wait3A_267 = arith.constant 0 : i32
      %dma_wait3A_268 = tpu.memref_slice %arg2[%dma_wait3A_266, %dma_wait3A_267] : memref<20000x64xf32, #tpu.memory_space<hbm>> -> memref<20000x64xf32, #tpu.memory_space<hbm>>
      tpu.wait_indirect_dma semaphore(%arg20 : memref<!tpu.dma_semaphore, #tpu.memory_space<semaphore_mem>>) src(%dma_wait3A_268 : memref<20000x64xf32, #tpu.memory_space<hbm>>) dst(%arg12 : memref<80x64xf32, #tpu.memory_space<vmem>>)
      %dma_start3A_269 = arith.constant 0 : i32
      %dma_start3A_270 = tpu.memref_slice %arg8[%add3A_262, %dma_start3A_269] : memref<250x80xi32, #tpu.memory_space<vmem>> -> memref<1x80xi32, #tpu.memory_space<vmem>>
      %dma_start3A_271 = tpu.memref_squeeze %dma_start3A_270 : memref<1x80xi32, #tpu.memory_space<vmem>> -> memref<80xi32, #tpu.memory_space<vmem>>
      %dma_start3A_272 = arith.constant 0 : i32
      %dma_start3A_273 = arith.constant 0 : i32
      %dma_start3A_274 = tpu.memref_slice %arg16[%dma_start3A_272, %dma_start3A_273] : memref<10240x64xf32, #tpu.memory_space<vmem_shared>> -> memref<10240x64xf32, #tpu.memory_space<vmem_shared>>
      tpu.enqueue_indirect_dma source(%arg12 : memref<80x64xf32, #tpu.memory_space<vmem>>) target(%dma_start3A_274 : memref<10240x64xf32, #tpu.memory_space<vmem_shared>>) offsets(%dma_start3A_271 : memref<80xi32, #tpu.memory_space<vmem>>) semaphore(%arg25 : memref<!tpu.dma_semaphore, #tpu.memory_space<semaphore_mem>>) {add = true}
      %get3A_275 = arith.index_cast %add3A_262 : i32 to index
      %get3A_276 = arith.constant 0 : index
      %get3A_277 = tpu.vector_load %arg8[%get3A_275, %get3A_276] {strides = array<i32>} : memref<250x80xi32, #tpu.memory_space<vmem>>, vector<16xi32>,
      tpu.vector_store_idx %arg14[%get3A_277], %broadcast_in_dim3A_17 {add = true} : memref<10240xf32, #tpu.memory_space<vmem>>[vector<16xi32>], vector<16xf32>,
      %get3A_278 = arith.index_cast %add3A_262 : i32 to index
      %get3A_279 = arith.constant 16 : index
      %get3A_280 = tpu.vector_load %arg8[%get3A_278, %get3A_279] {strides = array<i32>} : memref<250x80xi32, #tpu.memory_space<vmem>>, vector<16xi32>,
      tpu.vector_store_idx %arg14[%get3A_280], %broadcast_in_dim3A_17 {add = true} : memref<10240xf32, #tpu.memory_space<vmem>>[vector<16xi32>], vector<16xf32>,
      %get3A_281 = arith.index_cast %add3A_262 : i32 to index
      %get3A_282 = arith.constant 32 : index
      %get3A_283 = tpu.vector_load %arg8[%get3A_281, %get3A_282] {strides = array<i32>} : memref<250x80xi32, #tpu.memory_space<vmem>>, vector<16xi32>,
      tpu.vector_store_idx %arg14[%get3A_283], %broadcast_in_dim3A_17 {add = true} : memref<10240xf32, #tpu.memory_space<vmem>>[vector<16xi32>], vector<16xf32>,
      %get3A_284 = arith.index_cast %add3A_262 : i32 to index
      %get3A_285 = arith.constant 48 : index
      %get3A_286 = tpu.vector_load %arg8[%get3A_284, %get3A_285] {strides = array<i32>} : memref<250x80xi32, #tpu.memory_space<vmem>>, vector<16xi32>,
      tpu.vector_store_idx %arg14[%get3A_286], %broadcast_in_dim3A_17 {add = true} : memref<10240xf32, #tpu.memory_space<vmem>>[vector<16xi32>], vector<16xf32>,
      %get3A_287 = arith.index_cast %add3A_262 : i32 to index
      %get3A_288 = arith.constant 64 : index
      %get3A_289 = tpu.vector_load %arg8[%get3A_287, %get3A_288] {strides = array<i32>} : memref<250x80xi32, #tpu.memory_space<vmem>>, vector<16xi32>,
      tpu.vector_store_idx %arg14[%get3A_289], %broadcast_in_dim3A_17 {add = true} : memref<10240xf32, #tpu.memory_space<vmem>>[vector<16xi32>], vector<16xf32>,
      %sub3A_290 = arith.constant 2 : i32
      %sub3A_291 = arith.subi %add3A_262, %sub3A_290 : i32
      %dma_wait3A_292 = arith.constant 0 : i32
      %dma_wait3A_293 = tpu.memref_slice %arg8[%sub3A_291, %dma_wait3A_292] : memref<250x80xi32, #tpu.memory_space<vmem>> -> memref<1x80xi32, #tpu.memory_space<vmem>>
      %dma_wait3A_294 = tpu.memref_squeeze %dma_wait3A_293 : memref<1x80xi32, #tpu.memory_space<vmem>> -> memref<80xi32, #tpu.memory_space<vmem>>
      %dma_wait3A_295 = arith.constant 0 : i32
      %dma_wait3A_296 = arith.constant 0 : i32
      %dma_wait3A_297 = tpu.memref_slice %arg16[%dma_wait3A_295, %dma_wait3A_296] : memref<10240x64xf32, #tpu.memory_space<vmem_shared>> -> memref<10240x64xf32, #tpu.memory_space<vmem_shared>>
      tpu.wait_indirect_dma semaphore(%arg23 : memref<!tpu.dma_semaphore, #tpu.memory_space<semaphore_mem>>) src(%arg10 : memref<80x64xf32, #tpu.memory_space<vmem>>) dst(%dma_wait3A_297 : memref<10240x64xf32, #tpu.memory_space<vmem_shared>>)
      %add3A_298 = arith.constant 3 : i32
      %add3A_299 = arith.addi %add3A_262, %add3A_298 : i32
      %lt3A_300 = arith.constant 250 : i32
      %lt3A_301 = arith.cmpi slt, %add3A_299, %lt3A_300 : i32
      %convert_element_type3A_302 = arith.extui %lt3A_301 : i1 to i32
      %cond3A_303 = arith.constant 0 : i32
      %cond3A_304 = arith.cmpi ne, %convert_element_type3A_302, %cond3A_303 : i32
      scf.if %cond3A_304 {
        %add3A_349 = arith.constant 3 : i32
        %add3A_350 = arith.addi %add3A_262, %add3A_349 : i32
        %dma_start3A_351 = arith.constant 0 : i32
        %dma_start3A_352 = tpu.memref_slice %arg7[%add3A_350, %dma_start3A_351] : memref<250x80xi32, #tpu.memory_space<vmem>> -> memref<1x80xi32, #tpu.memory_space<vmem>>
        %dma_start3A_353 = tpu.memref_squeeze %dma_start3A_352 : memref<1x80xi32, #tpu.memory_space<vmem>> -> memref<80xi32, #tpu.memory_space<vmem>>
        %dma_start3A_354 = arith.constant 0 : i32
        %dma_start3A_355 = arith.constant 0 : i32
        %dma_start3A_356 = tpu.memref_slice %arg2[%dma_start3A_354, %dma_start3A_355] : memref<20000x64xf32, #tpu.memory_space<hbm>> -> memref<20000x64xf32, #tpu.memory_space<hbm>>
        tpu.enqueue_indirect_dma source(%dma_start3A_356 : memref<20000x64xf32, #tpu.memory_space<hbm>>) target(%arg10 : memref<80x64xf32, #tpu.memory_space<vmem>>) offsets(%dma_start3A_353 : memref<80xi32, #tpu.memory_space<vmem>>) semaphore(%arg18 : memref<!tpu.dma_semaphore, #tpu.memory_space<semaphore_mem>>)
      } else {
      }
      %add3A_305 = arith.constant 4 : i32
      %add3A_306 = arith.addi %add3A_140, %add3A_305 : i32
      %dma_wait3A_307 = arith.constant 0 : i32
      %dma_wait3A_308 = tpu.memref_slice %arg7[%add3A_306, %dma_wait3A_307] : memref<250x80xi32, #tpu.memory_space<vmem>> -> memref<1x80xi32, #tpu.memory_space<vmem>>
      %dma_wait3A_309 = tpu.memref_squeeze %dma_wait3A_308 : memref<1x80xi32, #tpu.memory_space<vmem>> -> memref<80xi32, #tpu.memory_space<vmem>>
      %dma_wait3A_310 = arith.constant 0 : i32
      %dma_wait3A_311 = arith.constant 0 : i32
      %dma_wait3A_312 = tpu.memref_slice %arg2[%dma_wait3A_310, %dma_wait3A_311] : memref<20000x64xf32, #tpu.memory_space<hbm>> -> memref<20000x64xf32, #tpu.memory_space<hbm>>
      tpu.wait_indirect_dma semaphore(%arg21 : memref<!tpu.dma_semaphore, #tpu.memory_space<semaphore_mem>>) src(%dma_wait3A_312 : memref<20000x64xf32, #tpu.memory_space<hbm>>) dst(%arg13 : memref<80x64xf32, #tpu.memory_space<vmem>>)
      %dma_start3A_313 = arith.constant 0 : i32
      %dma_start3A_314 = tpu.memref_slice %arg8[%add3A_306, %dma_start3A_313] : memref<250x80xi32, #tpu.memory_space<vmem>> -> memref<1x80xi32, #tpu.memory_space<vmem>>
      %dma_start3A_315 = tpu.memref_squeeze %dma_start3A_314 : memref<1x80xi32, #tpu.memory_space<vmem>> -> memref<80xi32, #tpu.memory_space<vmem>>
      %dma_start3A_316 = arith.constant 0 : i32
      %dma_start3A_317 = arith.constant 0 : i32
      %dma_start3A_318 = tpu.memref_slice %arg16[%dma_start3A_316, %dma_start3A_317] : memref<10240x64xf32, #tpu.memory_space<vmem_shared>> -> memref<10240x64xf32, #tpu.memory_space<vmem_shared>>
      tpu.enqueue_indirect_dma source(%arg13 : memref<80x64xf32, #tpu.memory_space<vmem>>) target(%dma_start3A_318 : memref<10240x64xf32, #tpu.memory_space<vmem_shared>>) offsets(%dma_start3A_315 : memref<80xi32, #tpu.memory_space<vmem>>) semaphore(%arg26 : memref<!tpu.dma_semaphore, #tpu.memory_space<semaphore_mem>>) {add = true}
      %get3A_319 = arith.index_cast %add3A_306 : i32 to index
      %get3A_320 = arith.constant 0 : index
      %get3A_321 = tpu.vector_load %arg8[%get3A_319, %get3A_320] {strides = array<i32>} : memref<250x80xi32, #tpu.memory_space<vmem>>, vector<16xi32>,
      tpu.vector_store_idx %arg14[%get3A_321], %broadcast_in_dim3A_17 {add = true} : memref<10240xf32, #tpu.memory_space<vmem>>[vector<16xi32>], vector<16xf32>,
      %get3A_322 = arith.index_cast %add3A_306 : i32 to index
      %get3A_323 = arith.constant 16 : index
      %get3A_324 = tpu.vector_load %arg8[%get3A_322, %get3A_323] {strides = array<i32>} : memref<250x80xi32, #tpu.memory_space<vmem>>, vector<16xi32>,
      tpu.vector_store_idx %arg14[%get3A_324], %broadcast_in_dim3A_17 {add = true} : memref<10240xf32, #tpu.memory_space<vmem>>[vector<16xi32>], vector<16xf32>,
      %get3A_325 = arith.index_cast %add3A_306 : i32 to index
      %get3A_326 = arith.constant 32 : index
      %get3A_327 = tpu.vector_load %arg8[%get3A_325, %get3A_326] {strides = array<i32>} : memref<250x80xi32, #tpu.memory_space<vmem>>, vector<16xi32>,
      tpu.vector_store_idx %arg14[%get3A_327], %broadcast_in_dim3A_17 {add = true} : memref<10240xf32, #tpu.memory_space<vmem>>[vector<16xi32>], vector<16xf32>,
      %get3A_328 = arith.index_cast %add3A_306 : i32 to index
      %get3A_329 = arith.constant 48 : index
      %get3A_330 = tpu.vector_load %arg8[%get3A_328, %get3A_329] {strides = array<i32>} : memref<250x80xi32, #tpu.memory_space<vmem>>, vector<16xi32>,
      tpu.vector_store_idx %arg14[%get3A_330], %broadcast_in_dim3A_17 {add = true} : memref<10240xf32, #tpu.memory_space<vmem>>[vector<16xi32>], vector<16xf32>,
      %get3A_331 = arith.index_cast %add3A_306 : i32 to index
      %get3A_332 = arith.constant 64 : index
      %get3A_333 = tpu.vector_load %arg8[%get3A_331, %get3A_332] {strides = array<i32>} : memref<250x80xi32, #tpu.memory_space<vmem>>, vector<16xi32>,
      tpu.vector_store_idx %arg14[%get3A_333], %broadcast_in_dim3A_17 {add = true} : memref<10240xf32, #tpu.memory_space<vmem>>[vector<16xi32>], vector<16xf32>,
      %sub3A_334 = arith.constant 2 : i32
      %sub3A_335 = arith.subi %add3A_306, %sub3A_334 : i32
      %dma_wait3A_336 = arith.constant 0 : i32
      %dma_wait3A_337 = tpu.memref_slice %arg8[%sub3A_335, %dma_wait3A_336] : memref<250x80xi32, #tpu.memory_space<vmem>> -> memref<1x80xi32, #tpu.memory_space<vmem>>
      %dma_wait3A_338 = tpu.memref_squeeze %dma_wait3A_337 : memref<1x80xi32, #tpu.memory_space<vmem>> -> memref<80xi32, #tpu.memory_space<vmem>>
      %dma_wait3A_339 = arith.constant 0 : i32
      %dma_wait3A_340 = arith.constant 0 : i32
      %dma_wait3A_341 = tpu.memref_slice %arg16[%dma_wait3A_339, %dma_wait3A_340] : memref<10240x64xf32, #tpu.memory_space<vmem_shared>> -> memref<10240x64xf32, #tpu.memory_space<vmem_shared>>
      tpu.wait_indirect_dma semaphore(%arg24 : memref<!tpu.dma_semaphore, #tpu.memory_space<semaphore_mem>>) src(%arg11 : memref<80x64xf32, #tpu.memory_space<vmem>>) dst(%dma_wait3A_341 : memref<10240x64xf32, #tpu.memory_space<vmem_shared>>)
      %add3A_342 = arith.constant 3 : i32
      %add3A_343 = arith.addi %add3A_306, %add3A_342 : i32
      %lt3A_344 = arith.constant 250 : i32
      %lt3A_345 = arith.cmpi slt, %add3A_343, %lt3A_344 : i32
      %convert_element_type3A_346 = arith.extui %lt3A_345 : i1 to i32
      %cond3A_347 = arith.constant 0 : i32
      %cond3A_348 = arith.cmpi ne, %convert_element_type3A_346, %cond3A_347 : i32
      scf.if %cond3A_348 {
        %add3A_349 = arith.constant 3 : i32
        %add3A_350 = arith.addi %add3A_306, %add3A_349 : i32
        %dma_start3A_351 = arith.constant 0 : i32
        %dma_start3A_352 = tpu.memref_slice %arg7[%add3A_350, %dma_start3A_351] : memref<250x80xi32, #tpu.memory_space<vmem>> -> memref<1x80xi32, #tpu.memory_space<vmem>>
        %dma_start3A_353 = tpu.memref_squeeze %dma_start3A_352 : memref<1x80xi32, #tpu.memory_space<vmem>> -> memref<80xi32, #tpu.memory_space<vmem>>
        %dma_start3A_354 = arith.constant 0 : i32
        %dma_start3A_355 = arith.constant 0 : i32
        %dma_start3A_356 = tpu.memref_slice %arg2[%dma_start3A_354, %dma_start3A_355] : memref<20000x64xf32, #tpu.memory_space<hbm>> -> memref<20000x64xf32, #tpu.memory_space<hbm>>
        tpu.enqueue_indirect_dma source(%dma_start3A_356 : memref<20000x64xf32, #tpu.memory_space<hbm>>) target(%arg11 : memref<80x64xf32, #tpu.memory_space<vmem>>) offsets(%dma_start3A_353 : memref<80xi32, #tpu.memory_space<vmem>>) semaphore(%arg19 : memref<!tpu.dma_semaphore, #tpu.memory_space<semaphore_mem>>)
      } else {
      }
    }
    %scan3A_117 = arith.constant 50 : i32
    %dma_wait3A_118 = arith.constant 248 : i32
    %dma_wait3A_119 = arith.constant 0 : i32
    %dma_wait3A_120 = tpu.memref_slice %arg8[%dma_wait3A_118, %dma_wait3A_119] : memref<250x80xi32, #tpu.memory_space<vmem>> -> memref<1x80xi32, #tpu.memory_space<vmem>>
    %dma_wait3A_121 = tpu.memref_squeeze %dma_wait3A_120 : memref<1x80xi32, #tpu.memory_space<vmem>> -> memref<80xi32, #tpu.memory_space<vmem>>
    %dma_wait3A_122 = arith.constant 0 : i32
    %dma_wait3A_123 = arith.constant 0 : i32
    %dma_wait3A_124 = tpu.memref_slice %arg16[%dma_wait3A_122, %dma_wait3A_123] : memref<10240x64xf32, #tpu.memory_space<vmem_shared>> -> memref<10240x64xf32, #tpu.memory_space<vmem_shared>>
    tpu.wait_indirect_dma semaphore(%arg25 : memref<!tpu.dma_semaphore, #tpu.memory_space<semaphore_mem>>) src(%arg12 : memref<80x64xf32, #tpu.memory_space<vmem>>) dst(%dma_wait3A_124 : memref<10240x64xf32, #tpu.memory_space<vmem_shared>>)
    %dma_wait3A_125 = arith.constant 249 : i32
    %dma_wait3A_126 = arith.constant 0 : i32
    %dma_wait3A_127 = tpu.memref_slice %arg8[%dma_wait3A_125, %dma_wait3A_126] : memref<250x80xi32, #tpu.memory_space<vmem>> -> memref<1x80xi32, #tpu.memory_space<vmem>>
    %dma_wait3A_128 = tpu.memref_squeeze %dma_wait3A_127 : memref<1x80xi32, #tpu.memory_space<vmem>> -> memref<80xi32, #tpu.memory_space<vmem>>
    %dma_wait3A_129 = arith.constant 0 : i32
    %dma_wait3A_130 = arith.constant 0 : i32
    %dma_wait3A_131 = tpu.memref_slice %arg16[%dma_wait3A_129, %dma_wait3A_130] : memref<10240x64xf32, #tpu.memory_space<vmem_shared>> -> memref<10240x64xf32, #tpu.memory_space<vmem_shared>>
    tpu.wait_indirect_dma semaphore(%arg26 : memref<!tpu.dma_semaphore, #tpu.memory_space<semaphore_mem>>) src(%arg13 : memref<80x64xf32, #tpu.memory_space<vmem>>) dst(%dma_wait3A_131 : memref<10240x64xf32, #tpu.memory_space<vmem_shared>>)
    %barrier3A_132 = arith.constant 0 : index
    tpu.barrier barrier_id(%barrier3A_132)
    "tpu.region"() ({
      %run_scoped3A = tpu.sem_alloc : memref<!tpu.dma_semaphore, #tpu.memory_space<semaphore_mem>>
      %dma_start3A_136 = arith.constant 0 : i32
      %dma_start3A_137 = tpu.memref_slice %arg5[%arg0, %mul3A_22, %dma_start3A_136] : memref<2x10240x64xf32, #tpu.memory_space<hbm>> -> memref<1x640x64xf32, #tpu.memory_space<hbm>>
      %dma_start3A_138 = tpu.memref_squeeze %dma_start3A_137 : memref<1x640x64xf32, #tpu.memory_space<hbm>> -> memref<640x64xf32, #tpu.memory_space<hbm>>
      %dma_start3A_139 = arith.constant 0 : i32
      %dma_start3A_140 = tpu.memref_slice %arg16[%mul3A_22, %dma_start3A_139] : memref<10240x64xf32, #tpu.memory_space<vmem_shared>> -> memref<640x64xf32, #tpu.memory_space<vmem_shared>>
      tpu.enqueue_dma source(%dma_start3A_140 : memref<640x64xf32, #tpu.memory_space<vmem_shared>>) target(%dma_start3A_138 : memref<640x64xf32, #tpu.memory_space<hbm>>) target_semaphore(%run_scoped3A : memref<!tpu.dma_semaphore, #tpu.memory_space<semaphore_mem>>)
      %dma_wait3A_141 = arith.constant 0 : i32
      %dma_wait3A_142 = tpu.memref_slice %arg5[%arg0, %mul3A_22, %dma_wait3A_141] : memref<2x10240x64xf32, #tpu.memory_space<hbm>> -> memref<1x640x64xf32, #tpu.memory_space<hbm>>
      %dma_wait3A_143 = tpu.memref_squeeze %dma_wait3A_142 : memref<1x640x64xf32, #tpu.memory_space<hbm>> -> memref<640x64xf32, #tpu.memory_space<hbm>>
      %dma_wait3A_144 = arith.constant 0 : i32
      %dma_wait3A_145 = tpu.memref_slice %arg16[%mul3A_22, %dma_wait3A_144] : memref<10240x64xf32, #tpu.memory_space<vmem_shared>> -> memref<640x64xf32, #tpu.memory_space<vmem_shared>>
      tpu.wait_dma2 semaphore(%run_scoped3A : memref<!tpu.dma_semaphore, #tpu.memory_space<semaphore_mem>>) src(%dma_wait3A_145 : memref<640x64xf32, #tpu.memory_space<vmem_shared>>) dst(%dma_wait3A_143 : memref<640x64xf32, #tpu.memory_space<hbm>>)
      tpu.yield
    }) : () -> ()
    %mul3A_133 = arith.constant 16 : i32
    %mul3A_134 = arith.muli %arg0, %mul3A_133 : i32
    %add3A_135 = arith.addi %mul3A_134, %arg1 : i32
    "tpu.region"() ({
      %run_scoped3A = tpu.sem_alloc : memref<!tpu.dma_semaphore, #tpu.memory_space<semaphore_mem>>
      %dma_start3A_136 = arith.constant 0 : i32
      %dma_start3A_137 = tpu.memref_slice %arg6[%add3A_135, %dma_start3A_136] : memref<32x10240xf32, #tpu.memory_space<hbm>> -> memref<1x10240xf32, #tpu.memory_space<hbm>>
      %dma_start3A_138 = tpu.memref_squeeze %dma_start3A_137 : memref<1x10240xf32, #tpu.memory_space<hbm>> -> memref<10240xf32, #tpu.memory_space<hbm>>
      %dma_start3A_139 = arith.constant 0 : i32
      %dma_start3A_140 = tpu.memref_slice %arg6[%add3A_135, %dma_start3A_139] : memref<32x10240xf32, #tpu.memory_space<hbm>> -> memref<1x10240xf32, #tpu.memory_space<hbm>>
      %dma_start3A_141 = tpu.memref_squeeze %dma_start3A_140 : memref<1x10240xf32, #tpu.memory_space<hbm>> -> memref<10240xf32, #tpu.memory_space<hbm>>
      tpu.enqueue_dma source(%arg14 : memref<10240xf32, #tpu.memory_space<vmem>>) target(%dma_start3A_141 : memref<10240xf32, #tpu.memory_space<hbm>>) target_semaphore(%run_scoped3A : memref<!tpu.dma_semaphore, #tpu.memory_space<semaphore_mem>>)
      %dma_wait3A_142 = arith.constant 0 : i32
      %dma_wait3A_143 = tpu.memref_slice %arg6[%add3A_135, %dma_wait3A_142] : memref<32x10240xf32, #tpu.memory_space<hbm>> -> memref<1x10240xf32, #tpu.memory_space<hbm>>
      %dma_wait3A_144 = tpu.memref_squeeze %dma_wait3A_143 : memref<1x10240xf32, #tpu.memory_space<hbm>> -> memref<10240xf32, #tpu.memory_space<hbm>>
      %dma_wait3A_145 = arith.constant 0 : i32
      %dma_wait3A_146 = tpu.memref_slice %arg6[%add3A_135, %dma_wait3A_145] : memref<32x10240xf32, #tpu.memory_space<hbm>> -> memref<1x10240xf32, #tpu.memory_space<hbm>>
      %dma_wait3A_147 = tpu.memref_squeeze %dma_wait3A_146 : memref<1x10240xf32, #tpu.memory_space<hbm>> -> memref<10240xf32, #tpu.memory_space<hbm>>
      tpu.wait_dma2 semaphore(%run_scoped3A : memref<!tpu.dma_semaphore, #tpu.memory_space<semaphore_mem>>) src(%arg14 : memref<10240xf32, #tpu.memory_space<vmem>>) dst(%dma_wait3A_147 : memref<10240xf32, #tpu.memory_space<hbm>>)
      tpu.yield
    }) : () -> ()
    return
  }
}

module attributes {stable_mosaic.version = 14 : i64} {
  func.func @_tc_body(%arg0: i32, %arg1: memref<2x1024x64xf32, #tpu.memory_space<vmem>>, %arg2: memref<32x1024xf32, #tpu.memory_space<vmem>>, %arg3: memref<128x128xf32, #tpu.memory_space<vmem>>, %arg4: memref<1x128xf32, #tpu.memory_space<vmem>>, %arg5: memref<1024x128xf32, #tpu.memory_space<vmem>>) attributes {dimension_semantics = [#tpu.dimension_semantics<arbitrary>], iteration_bounds = array<i64: 10>, scalar_prefetch = 0 : i64, scratch_operands = 0 : i64, tpu.core_type = #tpu.core_type<tc>, window_params = [{transform_indices = @transform_0, window_bounds = array<i64: 2, 1024, 64>}, {transform_indices = @transform_1, window_bounds = array<i64: 32, 1024>}, {pipeline_mode = #tpu.pipeline_mode<synchronous>, transform_indices = @transform_2, window_bounds = array<i64: 128, 128>}, {pipeline_mode = #tpu.pipeline_mode<synchronous>, transform_indices = @transform_3, window_bounds = array<i64: 1, 128>}, {transform_indices = @transform_4, window_bounds = array<i64: 1024, 128>}]} {
    %get3A = arith.constant 0 : index
    %get3A_0 = arith.constant 0 : index
    %get3A_1 = arith.constant 0 : index
    %get3A_2 = vector.load %arg1[%get3A, %get3A_0, %get3A_1] : memref<2x1024x64xf32, #tpu.memory_space<vmem>>, vector<1x1024x64xf32>
    %get3A_3 = vector.shape_cast %get3A_2 : vector<1x1024x64xf32> to vector<1024x64xf32>
    %get3A_4 = arith.constant 1 : index
    %get3A_5 = arith.constant 0 : index
    %get3A_6 = arith.constant 0 : index
    %get3A_7 = vector.load %arg1[%get3A_4, %get3A_5, %get3A_6] : memref<2x1024x64xf32, #tpu.memory_space<vmem>>, vector<1x1024x64xf32>
    %get3A_8 = vector.shape_cast %get3A_7 : vector<1x1024x64xf32> to vector<1024x64xf32>
    %concatenate3A = tpu.concatenate %get3A_3, %get3A_8 in 1 : vector<1024x64xf32>, vector<1024x64xf32> -> vector<1024x128xf32>
    %get3A_9 = arith.constant 0 : index
    %get3A_10 = arith.constant 0 : index
    %get3A_11 = vector.load %arg2[%get3A_9, %get3A_10] : memref<32x1024xf32, #tpu.memory_space<vmem>>, vector<32x1024xf32>
    %reduce_sum3A = arith.constant dense<0.000000e+00> : vector<1024xf32>
    %reduce_sum3A_12 = vector.multi_reduction <add>, %get3A_11, %reduce_sum3A [0] : vector<32x1024xf32> to vector<1024xf32>
    %mul3A = arith.constant 5.000000e-01 : f32
    %mul3A_13 = vector.broadcast %mul3A : f32 to vector<1024xf32>
    %mul3A_14 = arith.mulf %reduce_sum3A_12, %mul3A_13 : vector<1024xf32>
    %max3A = arith.constant 1.000000e+00 : f32
    %max3A_15 = vector.broadcast %max3A : f32 to vector<1024xf32>
    %max3A_16 = arith.maximumf %mul3A_14, %max3A_15 : vector<1024xf32>
    %div3A = arith.constant 1.000000e+00 : f32
    %div3A_17 = vector.broadcast %div3A : f32 to vector<1024xf32>
    %div3A_18 = arith.divf %div3A_17, %max3A_16 : vector<1024xf32>
    %broadcast_in_dim3A = vector.shape_cast %div3A_18 : vector<1024xf32> to vector<1024x1xf32>
    %mul3A_19 = vector.broadcast %broadcast_in_dim3A : vector<1024x1xf32> to vector<1024x128xf32>
    %mul3A_20 = arith.mulf %concatenate3A, %mul3A_19 : vector<1024x128xf32>
    %get3A_21 = arith.constant 0 : index
    %get3A_22 = arith.constant 0 : index
    %get3A_23 = vector.load %arg3[%get3A_21, %get3A_22] : memref<128x128xf32, #tpu.memory_space<vmem>>, vector<128x128xf32>
    %dot_general3A = arith.constant dense<0.000000e+00> : vector<1024x128xf32>
    %dot_general3A_24 = tpu.matmul %mul3A_20, %get3A_23, %dot_general3A {dimension_numbers = #tpu.dot_dimension_numbers<[1], [0], [0], [1], [0, 0, 1, 1], [], []>, transpose_lhs_hint = false} : vector<1024x128xf32>, vector<128x128xf32>, vector<1024x128xf32> -> vector<1024x128xf32>
    %get3A_25 = arith.constant 0 : index
    %get3A_26 = arith.constant 0 : index
    %get3A_27 = vector.load %arg4[%get3A_25, %get3A_26] : memref<1x128xf32, #tpu.memory_space<vmem>>, vector<1x128xf32>
    %add3A = vector.broadcast %get3A_27 : vector<1x128xf32> to vector<1024x128xf32>
    %add3A_28 = arith.addf %dot_general3A_24, %add3A : vector<1024x128xf32>
    %max3A_29 = arith.constant 0.000000e+00 : f32
    %max3A_30 = vector.broadcast %max3A_29 : f32 to vector<1024x128xf32>
    %max3A_31 = arith.maximumf %add3A_28, %max3A_30 : vector<1024x128xf32>
    %swap3A = arith.constant 0 : index
    %swap3A_32 = arith.constant 0 : index
    %swap3A_33 = vector.load %arg5[%swap3A, %swap3A_32] : memref<1024x128xf32, #tpu.memory_space<vmem>>, vector<1024x128xf32>
    tpu.vector_store %arg5[%swap3A, %swap3A_32], %max3A_31 {strides = array<i32>} : memref<1024x128xf32, #tpu.memory_space<vmem>>, vector<1024x128xf32>,
    return
  }
  func.func @transform_0(%arg0: i32) -> (i32, i32, i32) {
    %c0_i32 = arith.constant 0 : i32
    %c0_i32_0 = arith.constant 0 : i32
    %c0_i32_1 = arith.constant 0 : i32
    return %c0_i32, %arg0, %c0_i32_0 : i32, i32, i32
  }
  func.func @transform_1(%arg0: i32) -> (i32, i32) {
    %c0_i32 = arith.constant 0 : i32
    %c0_i32_0 = arith.constant 0 : i32
    return %c0_i32, %arg0 : i32, i32
  }
  func.func @transform_2(%arg0: i32) -> (i32, i32) {
    %c0_i32 = arith.constant 0 : i32
    %c0_i32_0 = arith.constant 0 : i32
    %c0_i32_1 = arith.constant 0 : i32
    return %c0_i32, %c0_i32_0 : i32, i32
  }
  func.func @transform_3(%arg0: i32) -> (i32, i32) {
    %c0_i32 = arith.constant 0 : i32
    %c0_i32_0 = arith.constant 0 : i32
    %c0_i32_1 = arith.constant 0 : i32
    return %c0_i32, %c0_i32_0 : i32, i32
  }
  func.func @transform_4(%arg0: i32) -> (i32, i32) {
    %c0_i32 = arith.constant 0 : i32
    %c0_i32_0 = arith.constant 0 : i32
    return %arg0, %c0_i32 : i32, i32
  }
}

</mosaic_0001>

<sc_bundles>
// kernel: kernel.4.cloned.1.call-start
scs
__scs_entry_jumppad:
0x0: {  	(pc) =	sbr.rel $0x88, $3  }
0x1: {  	(tag) =	ssettag $0x0;
	lr =	simm.s32 $0x1  }
0x2: {  	[smem:$0x3F9D] =	sst lr;
	_ =	strace $0xD0000000  }
0x3: {  	_ = 	snop  }
0x4: {  	_ = 	snop  }
0x5: {  	_ = 	snop  }
0x6: {  	_ = 	snop  }
0x7: {  	_ = 	snop  }
__scs_overlays_trampoline_lowered:
0x8: {  	[smem:$0x3FAC] =	sst s0  }
0x9: {  	[smem:$0x3FAD] =	sst s1  }
0xa: {  	[smem:$0x3FAE] =	sst s2  }
0xb: {  	[smem:$0x3FAF] =	sst s3  }
0xc: {  	[smem:$0x3FB0] =	sst s4  }
0xd: {  	[smem:$0x3FB1] =	sst s5  }
0xe: {  	[smem:$0x3FB2] =	sst s6  }
0xf: {  	[smem:$0x3FB3] =	sst s7  }
0x10: {  	[smem:$0x3FB4] =	sst s8  }
0x11: {  	[smem:$0x3FB5] =	sst s9;
	s0 =	simm.s32 @!p0 $0x0  }
0x12: {  	s1 =	sld [smem:$0x3F9B];
	s0 =	simm.s32 @p0 $0x1  }
0x13: {  	[smem:$0x3FB6] =	sst s0;
	s0 =	simm.s32 @!p1 $0x0  }
0x14: {  	s2 =	sld [smem:$0x3F9A];
	s0 =	simm.s32 @p1 $0x1  }
0x15: {  	[smem:$0x3FB7] =	sst s0;
	s0 =	simm.s32 @!p2 $0x0  }
0x16: {  	s3 =	sld [smem:$0x3FDB];
	s0 =	simm.s32 @p2 $0x1  }
0x17: {  	s4 =	simm.s32 $0x1BF5;
	[smem:$0x3FB9] =	sst s0  }
0x18: {  	s0 =	sld [smem:$0x3F9C];
	_ =	swait.ge [sflag:s4], $0x0  }
0x19: {  	s7 =	sld [smem:$0x3F9D]  }
0x1a: {  	s8 =	sadd.s32 $0xFFFFE003, lr  }
0x1b: {  	s9 =	sadd.s32 $0xFFFFFEF7, lr;
	s5 =	simm.s32 $0xFFFFFFFF;
	p2 =	slt.u32 s8, $0xFFFFF086  }
0x1c: {  	p1 =	slt.u32 s9, $0xF7A;
	s5 =	simm.s32 @!p2 $0x0  }
0x1d: {  	s5 =	simm.s32 @p1 $0x1;
	p0 =	seq.s32 s7, s2  }
0x1e: {  	s7 =	smul.u32 @!p0 $0xF7A, s2;
	p2 =	seq.s32 @!p0 s5, $0x0  }
0x1f: {  	s9 =	smul.u32 $0xF7A, s1;
	s8 =	simm.s32 @!p0 $0x1BF5;
	p2 =	por !p2, p0  }
0x20: {  	[sflag:s8] =	ssyncset.s32 @!p0 $0xFFFFF086;
	s6 =	sadd.s32 @!p0 s3, s7;
	s7 =	simm.s32 @!p0 $0x108  }
0x21: {  	s3 =	sadd.s32 s3, s9;
	s6 =	sadd.s32 @!p0 $0x88, s6;
	s7 =	simm.s32 @p2 $0x1082  }
0x22: {  	[simem:s7], [sflag:s8] =	dma.local @!p0 [hbm:s6], $0xF7A  }
0x23: {  	s9 =	sor.u32 $0xD0000000, s2;
	s6 =	simm.s32 $0x108;
	_ =	swait.ge @!p0 [sflag:s8], $0x0  }
0x24: {  	s3 =	sadd.s32 $0x88, s3;
	s6 =	simm.s32 @!p1 $0x1082;
	[sflag:s4] =	ssyncset.s32 $0xFFFFF086  }
0x25: {  	[simem:s6], [sflag:s4] =	dma.local [hbm:s3], $0xF7A  }
0x26: {  	[smem:$0x3F9D] =	sst s1;
	(tag) =	ssettag s2;
	_ =	strace s9  }
0x27: {  	s1 =	sld [smem:$0x3FAD]  }
0x28: {  	s2 =	sld [smem:$0x3FAE]  }
0x29: {  	s4 =	sld [smem:$0x3FB0]  }
0x2a: {  	p0 =	seq.s32 s5, $0x0;
	s5 =	sld [smem:$0x3FB1]  }
0x2b: {  	s6 =	sld [smem:$0x3FB2]  }
0x2c: {  	s7 =	sld [smem:$0x3FB3]  }
0x2d: {  	s3 =	simm.s32 $0x108;
	s8 =	sld [smem:$0x3FB4]  }
0x2e: {  	s3 =	simm.s32 @!p0 $0x1082;
	s9 =	sld [smem:$0x3FB5]  }
0x2f: {  	lr =	sadd.s32 s0, s3;
	s0 =	sld [smem:$0x3FAC]  }
0x30: {  	s3 =	sld [smem:$0x3FAF]  }
0x31: {  	[smem:$0x3FB8] =	sst s10  }
0x32: {  	s10 =	sld [smem:$0x3FB6];
	_ =	sdelay $0x3  }
0x33: {  	p0 =	seq.s32 s10, $0x1;
	s10 =	sld [smem:$0x3FB8];
	_ =	sdelay $0x3  }
0x34: {  	[smem:$0x3FB8] =	sst s10  }
0x35: {  	s10 =	sld [smem:$0x3FB7];
	_ =	sdelay $0x3  }
0x36: {  	p1 =	seq.s32 s10, $0x1;
	s10 =	sld [smem:$0x3FB8];
	_ =	sdelay $0x3  }
0x37: {  	[smem:$0x3FB8] =	sst s10  }
0x38: {  	s10 =	sld [smem:$0x3FB9]  }
0x39: {  	_ = 	snop;
	(pc) =	sbr.ind lr, $3  }
0x3a: {  	_ = 	snop  }
0x3b: {  	_ = 	snop  }
0x3c: {  	p2 =	seq.s32 s10, $0x1;
	s10 =	sld [smem:$0x3FB8]  }
0x3d: {  	_ =	shalt  }
0x3e: {  	_ =	shalt  }
0x3f: {  	_ =	shalt  }
0x40: {  	_ =	shalt  }
0x41: {  	_ =	shalt  }
0x42: {  	_ =	shalt  }
0x43: {  	_ =	shalt  }
0x44: {  	_ =	shalt  }
0x45: {  	_ =	shalt  }
0x46: {  	_ =	shalt  }
0x47: {  	_ =	shalt  }
0x48: {  	_ =	shalt  }
0x49: {  	_ =	shalt  }
0x4a: {  	_ =	shalt  }
0x4b: {  	_ =	shalt  }
0x4c: {  	_ =	shalt  }
0x4d: {  	_ =	shalt  }
0x4e: {  	_ =	shalt  }
0x4f: {  	_ =	shalt  }
0x50: {  	_ =	shalt  }
0x51: {  	_ =	shalt  }
0x52: {  	_ =	shalt  }
0x53: {  	_ =	shalt  }
0x54: {  	_ =	shalt  }
0x55: {  	_ =	shalt  }
0x56: {  	_ =	shalt  }
0x57: {  	_ =	shalt  }
0x58: {  	_ =	shalt  }
0x59: {  	_ =	shalt  }
0x5a: {  	_ =	shalt  }
0x5b: {  	_ =	shalt  }
0x5c: {  	_ =	shalt  }
0x5d: {  	_ =	shalt  }
0x5e: {  	_ =	shalt  }
0x5f: {  	_ =	shalt  }
0x60: {  	_ =	shalt  }
0x61: {  	_ =	shalt  }
0x62: {  	_ =	shalt  }
0x63: {  	_ =	shalt  }
0x64: {  	_ =	shalt  }
0x65: {  	_ =	shalt  }
0x66: {  	_ =	shalt  }
0x67: {  	_ =	shalt  }
0x68: {  	_ =	shalt  }
0x69: {  	_ =	shalt  }
0x6a: {  	_ =	shalt  }
0x6b: {  	_ =	shalt  }
0x6c: {  	_ =	shalt  }
0x6d: {  	_ =	shalt  }
0x6e: {  	_ =	shalt  }
0x6f: {  	_ =	shalt  }
0x70: {  	_ =	shalt  }
0x71: {  	_ =	shalt  }
0x72: {  	_ =	shalt  }
0x73: {  	_ =	shalt  }
0x74: {  	_ =	shalt  }
0x75: {  	_ =	shalt  }
0x76: {  	_ =	shalt  }
0x77: {  	_ =	shalt  }
0x78: {  	_ =	shalt  }
0x79: {  	_ =	shalt  }
0x7a: {  	_ =	shalt  }
0x7b: {  	_ =	shalt  }
0x7c: {  	_ =	shalt  }
0x7d: {  	_ =	shalt  }
0x7e: {  	_ =	shalt  }
0x7f: {  	_ =	shalt  }
0x80: {  	_ =	shalt  }
0x81: {  	_ =	shalt  }
0x82: {  	_ =	shalt  }
0x83: {  	_ =	shalt  }
0x84: {  	_ =	shalt  }
0x85: {  	_ =	shalt  }
0x86: {  	_ =	shalt  }
0x87: {  	_ =	shalt  }
.Lfunc_end0:
.L_simem_size_0:
called_computation_lowered:
.L_overlay_start_0:
0x88: {  	s2 =	sld [smem:$0x3FD9]  }
0x89: {  	s3 =	sld [smem:$0x3FFE];
	_ =	sdelay $0x1  }
0x8a: {  	s1 =	srdreg.scid  }
0x8b: {  	s0 =	sand.u32 $0x1, s1  }
0x8c: {  	s17 =	sshll.u32 s0, $0xA;
	s2 =	sadd.s32 s3, s2  }
0x8d: {  	s2 =	sadd.s32 s2, s17  }
0x8e: {  	[smem:$0x3FC4] =	sst s2  }
0x8f: {  	_ = 	snop  }
0x90: {  	s2 =	sld [smem:$0x3FD0];
	(tm) =	ssettm $0x1  }
0x91: {  	s18 =	sld [smem:$0x3FFB];
	_ =	sdelay $0x3  }
0x92: {  	_ =	strace s18  }
0x93: {  	s3 =	sld [smem:$0x3FFC];
	_ =	sdelay $0x3  }
0x94: {  	_ =	strace s3  }
0x95: {  	s3 =	sld [smem:$0x3FFD];
	_ =	sdelay $0x3  }
0x96: {  	_ =	strace s3  }
0x97: {  	_ =	strace $0x8FFFFFFF  }
0x98: {  	s19 =	sld [smem:$0x3FDB];
	_ =	sdelay $0x1  }
0x99: {  	s4 =	simm.s32 $_scs_section_size  }
0x9a: {  	s5 =	simm.s32 $_size__tile_overlayer_lowered;
	s6 =	simm.s32 $_tile_overlayer_lowered  }
0x9b: {  	s22 =	simm.s32 $0x1BFF;
	s21 =	sshll.u32 s6, $0x1;
	s3 =	sadd.s32 s4, s19  }
0x9c: {  	s7 =	simm.s32 $0x0;
	s20 =	sshll.u32 s5, $0x1;
	s5 =	sadd.s32 s21, s3  }
0x9d: {  	[timem:s7], [sflag:s22] =	dma.local [hbm:s5], s20  }
0x9e: {  	_ =	swait.ge [sflag:s22], s20  }
0x9f: {  	s4 =	ssub.s32 $0x0, s20;
	[sflag:s22] =	ssyncset.done $0x0  }
0xa0: {  	[sflag:s22] =	ssyncadd.s32 s4;
	_ =	sdelay $0x1  }
0xa1: {  	s23 =	simm.s32 $0x1B8B  }
0xa2: {  	_ =	swait.ge [sflag:s23], $0x1  }
0xa3: {  	[sflag:s23] =	ssyncset.done $0x0  }
0xa4: {  	s25 =	simm.s32 $0x1B8E;
	s24 =	sld [smem:$0x3FFE];
	[sflag:s23] =	ssyncadd.s32 $0xFFFFFFFF  }
0xa5: {  	s26 =	simm.s32 $execute0_lowered;
	[smem:$0x3FD2] =	sst s25  }
0xa6: {  	s5 =	sshll.u32 s26, $0x1;
	_ =	strace $0x80000046;
	[dreg:$0x1] =	wrdreg $0xFFFFFFFF  }
0xa7: {  	s28 =	simm.s32 $_size_execute0_lowered;
	s3 =	sadd.s32 s3, s5;
	[dreg:$0x0] =	wrdreg $0x0  }
0xa8: {  	s5 =	sshll.u32 s28, $0x1;
	[dreg:$0x2] =	wrdreg s3  }
0xa9: {  	[dreg:$0x3] =	wrdreg s5  }
0xaa: {  	[dreg:$0x4] =	wrdreg $0xC0  }
0xab: {  	_ =	task [dreg:s7], $0x5FFFF  }
0xac: {  	[dreg:$0x1] =	wrdreg $0xFFFFFFFF  }
0xad: {  	[dreg:$0x0] =	wrdreg $0x60  }
0xae: {  	[dreg:$0x2] =	wrdreg s2  }
0xaf: {  	[dreg:$0x3] =	wrdreg s24  }
0xb0: {  	[dreg:$0x4] =	wrdreg $0x148400  }
0xb1: {  	[dreg:$0x5] =	wrdreg $0x9  }
0xb2: {  	_ =	task.clear_ibuf [dreg:s7], $0x6FFFF;
	_ =	strace $0x90000046  }
0xb3: {  	s29 =	simm.s32 $0x9;
	_ =	strace $0x80000048  }
0xb4: {  	_ =	swait.ge [sflag:s29], $0x1  }
0xb5: {  	[sflag:s29] =	ssyncadd.s32 $0xFFFFFFFF  }
0xb6: {  	_ =	strace $0x90000048  }
0xb7: {  	_ =	sfence  }
0xb8: {  	s30 =	sld [smem:$0x0];
	_ =	sdelay $0x2  }
0xb9: {  	s31 =	sshll.u32 s1, $0xD;
	s1 =	sshrl.u32 s1, $0x2  }
0xba: {  	s3 =	sand.u32 $0x4000, s31;
	s1 =	sadd.s32 s1, s30  }
0xbb: {  	s0 =	sor.u32 s3, s0;
	s1 =	sshll.u32 s1, $0x11  }
0xbc: {  	s0 =	sor.u32 s1, s0  }
0xbd: {  	s0 =	sadd.s32 $0x8F2B, s0  }
0xbe: {  	[sflag:s0] =	ssyncadd.remote.s32 $0x1  }
0xbf: {  	_ =	sfence.sel $0xFFFF  }
0xc0: {  	[dreg:$0x0] =	wrdreg $0xFFFFFFFF;
	(pc) =	sbr.abs _section_cstart, $3  }
0xc1: {  	[dreg:$0x1] =	wrdreg $0xFFFFFFFF  }
0xc2: {  	_ =	task.clear_ibuf [dreg:s7], $0x2FFFF;
	_ =	strace $0x9FFFFFFF  }
0xc3: {  	(tm) =	ssettm $0x7FFFFFFF  }
tec
execute0_lowered:
.L_overlay_start_1:
0x0: {  	(tag) =	ssettag $0x1  }
0x1: {  	s1 =	rddreg [dreg:$0x0];
	s0 =	srdreg.scid  }
0x2: {  	s10 =	stileid.u32;
	s2 =	rddreg [dreg:$0x1]  }
0x3: {  	s3 =	rddreg [dreg:$0x2];
	s4 =	simm.s32 $0x0;
	s16 =	simm.s32 $0x12840  }
0x4: {  	s17 =	simm.s32 $0x1;
	s18 =	simm.s32 $0x2;
	s19 =	simm.s32 $0x3  }
0x5: {  	s20 =	simm.s32 $0x4;
	s29 =	simm.s32 $0xC440;
	s5 =	smul.u32 $0x4E20, s10  }
0x6: {  	s30 =	simm.s32 $0x10040;
	s0 =	sand.u32 $0x1, s0;
	s7 =	smul.u32 $0xA000, s10  }
0x7: {  	s31 =	simm.s32 $0xD840;
	s15 =	simm.s32 $0x9;
	s6 =	smul.u32 $0x4E200, s0  }
0x8: {  	s28 =	simm.s32 $0xA;
	[smem:$0x7FF] =	sst s4;
	s8 =	smul.u32 $0xA0000, s0  }
0x9: {  	s9 =	sshll.u32 s0, $0x4;
	_ =	strace $0x80000047;
	s0 =	ssub.s32 $0x2, s0  }
0xa: {  	s9 =	sor.u32 s10, s9;
	s10 =	smul.u32 $0x28000, s10;
	s11 =	sshrl.u32 s0, $0x1  }
0xb: {  	s6 =	sadd.s32 s5, s6;
	s5 =	sshrl.u32 s5, $0x3;
	s8 =	sadd.s32 s7, s8  }
0xc: {  	s9 =	smul.u32 $0x500, s9;
	s0 =	ssub.s32 s0, s11;
	s7 =	sadd.s32 s7, s3  }
0xd: {  	s6 =	sshrl.u32 s6, $0x3;
	s8 =	sshrl.u32 s8, $0x3;
	s5 =	sadd.s32 s5, s2  }
0xe: {  	s21 =	sshrl.u32 s10, $0x2;
	s6 =	sadd.s32 s6, s2;
	s5 =	sadd.s32 $0xA00, s5  }
0xf: {  	s22 =	sadd.s32 s21, s3;
	s6 =	sadd.s32 $0xA800, s6;
	[dreg:$0x5] =	wrdreg s5  }
0x10: {  	s14 =	smax.u32 s0, $0x1;
	s23 =	sadd.s32 $0x2000, s22;
	[dreg:$0x4] =	wrdreg s6  }
0x11: {  	s0 =	simm.s32 $0x8;
	s24 =	sadd.s32 $0x4000, s22;
	[dreg:$0x6] =	wrdreg s23  }
0x12: {  	s8 =	sadd.s32 s8, s2;
	s25 =	sadd.s32 $0x6000, s22;
	[dreg:$0x7] =	wrdreg s24  }
0x13: {  	s2 =	sadd.s32 s9, s2;
	s5 =	sadd.s32 $0x8000, s22;
	[dreg:$0x8] =	wrdreg s25  }
.Ltmp0:
0x14: {  	s26 =	sadd.s32 $0x1E200, s8;
	[dreg:$0x9] =	wrdreg s5;
	(pc) =	sbr.rel .LBB2_1-.Ltmp0, $4  }
0x15: {  	s21 =	simm.s32 $0x5;
	s2 =	sadd.s32 $0x46200, s2;
	[dreg:$0xa] =	wrdreg s26  }
0x16: {  	s22 =	simm.s32 $0x6;
	[dreg:$0xb] =	wrdreg s2;
	s23 =	simm.s32 $0x7  }
0x17: {  	s24 =	simm.s32 $0x50;
	s25 =	simm.s32 $0x9C40;
	s26 =	simm.s32 $0xB040  }
0x18: {  	v0 =	vimm.f32 $0.0e+00;
	v1 =	vimm.f32 $1.000000000e+00;
	s2 =	simm.s32 $0xEC40;
	s5 =	simm.s32 $0xB;
	s6 =	simm.s32 $0x0  }
.LBB2_8:
0x19: {  	_ =	swait.ge [sflag:s15], $0x1400  }
0x1a: {  	[sflag:s15] =	ssyncset.done $0x0  }
0x1b: {  	[sflag:s15] =	ssyncadd.s32 $0xFFFFEC00  }
0x1c: {  	_ =	swait.ge [sflag:s28], $0x1400  }
0x1d: {  	[sflag:s28] =	ssyncset.done $0x0  }
0x1e: {  	s8 =	stileid.u32;
	[sflag:s28] =	ssyncadd.s32 $0xFFFFEC00  }
0x1f: {  	s8 =	sshll.u32 s8, $0x6;
	[bflag:$0x0] =	sbarrier.arrive $0xFFFF  }
0x20: {  	s9 =	sshrl.u32 s7, $0x3;
	s8 =	sor.u32 $0x1C0B, s8;
	s10 =	rddreg [dreg:$0xa]  }
0x21: {  	[hbm:s10], [sflag:s8] =	dma.local [spmem:s9], $0x1400  }
0x22: {  	s6 =	sadd.s32 $0x1, s6;
	_ =	swait.ge [sflag:s5], $0x1400  }
0x23: {  	p0 =	sne.s32 s6, s14;
	[sflag:s5] =	ssyncset.done $0x0  }
.Ltmp1:
0x24: {  	s13 =	rddreg [dreg:$0xb];
	[sflag:s5] =	ssyncadd.s32 $0xFFFFEC00;
	(pc) =	sbr.rel @!p0 .LBB2_9-.Ltmp1, $4  }
0x25: {  	[hbm4b:s13+s4] =	stream.linear.scatter [tilespmem:s30], [sflag:$0xB], $0x2800, $0x38;
	[tilespmem:$0x1E840] =	vst v63  }
0x26: {  	_ =	swait.ge [sflag:s5], $0x2800  }
0x27: {  	[sflag:s5] =	ssyncset.done $0x0  }
0x28: {  	[sflag:s5] =	ssyncadd.s32 $0xFFFFD800  }
.LBB2_1:
0x29: {  	s8 =	rddreg [dreg:$0x4]  }
0x2a: {  	[tilespmem:s4], [sflag:$0x6] =	stream.linear.gather [hbm4b:s8+s4], $0x4E20, $0x38;
	[tilespmem:$0x1E840] =	vst v63  }
0x2b: {  	s13 =	rddreg [dreg:$0x5];
	s9 =	simm.s32 $0x4E20  }
0x2c: {  	[tilespmem:s9], [sflag:$0x7] =	stream.linear.gather [hbm4b:s13+s4], $0x4E20, $0x38;
	[tilespmem:$0x1E840] =	vst v63  }
0x2d: {  	s8 =	simm.s32 $0x0;
	s9 =	simm.s32 $0x100  }
.LBB2_2:
0x2e: {  	p0 =	sne.s32 s9, $0x7F00;
	[tilespmem:s8+$0x12870] =	vst v0;
	s10 =	smov.u32 s9;
	s9 =	sadd.s32 $0x100, s9  }
.Ltmp2:
0x2f: {  	[tilespmem:s8+$0x12860] =	vst v0;
	(pc) =	sbr.rel @p0 .LBB2_2-.Ltmp2, $3  }
0x30: {  	[tilespmem:s8+$0x12840] =	vst v0  }
0x31: {  	[tilespmem:s8+$0x12850] =	vst v0;
	_ =	sdelay $0x1  }
0x32: {  	s8 =	sshra.s32 s10, $0x2  }
0x33: {  	[tilespmem:s8+$0x12870] =	vst v0  }
0x34: {  	[tilespmem:s8+$0x12860] =	vst v0  }
0x35: {  	[tilespmem:s8+$0x12840] =	vst v0  }
0x36: {  	[tilespmem:s8+$0x12850] =	vst v0  }
0x37: {  	[spmem:s7] =	stream.linear.scatter [tilespmem:s16], [sflag:$0x1], $0x2000, $0x38;
	[tilespmem:$0x1E840] =	vst v63  }
0x38: {  	s10 =	rddreg [dreg:$0x6]  }
0x39: {  	[spmem:s10] =	stream.linear.scatter [tilespmem:s16], [sflag:$0x2], $0x2000, $0x38;
	[tilespmem:$0x1E840] =	vst v63  }
0x3a: {  	s11 =	rddreg [dreg:$0x7]  }
0x3b: {  	[spmem:s11] =	stream.linear.scatter [tilespmem:s16], [sflag:$0x3], $0x2000, $0x38;
	[tilespmem:$0x1E840] =	vst v63  }
0x3c: {  	s12 =	rddreg [dreg:$0x8]  }
0x3d: {  	[spmem:s12] =	stream.linear.scatter [tilespmem:s16], [sflag:$0x4], $0x2000, $0x38;
	[tilespmem:$0x1E840] =	vst v63  }
0x3e: {  	s13 =	rddreg [dreg:$0x9];
	s8 =	simm.s32 $0x40;
	s9 =	simm.s32 $0x0  }
0x3f: {  	[spmem:s13] =	stream.linear.scatter [tilespmem:s16], [sflag:$0x5], $0x2000, $0x38;
	[tilespmem:$0x1E840] =	vst v63  }
.LBB2_4:
0x40: {  	p0 =	sne.s32 s8, $0x9FC0;
	[tilespmem:s9+$0x10040] =	vst v0;
	s9 =	smov.u32 s8;
	s8 =	sadd.s32 $0x40, s8  }
.Ltmp3:
0x41: {  	(pc) =	sbr.rel @p0 .LBB2_4-.Ltmp3, $2  }
0x42: {  	_ =	sdelay $0x2  }
0x43: {  	s9 =	sshra.s32 s9, $0x2  }
0x44: {  	[tilespmem:s9+$0x10040] =	vst v0  }
0x45: {  	_ =	swait.ge [sflag:s17], $0x2000  }
0x46: {  	[sflag:s17] =	ssyncset.done $0x0  }
0x47: {  	[sflag:s17] =	ssyncadd.s32 $0xFFFFE000  }
0x48: {  	_ =	swait.ge [sflag:s18], $0x2000  }
0x49: {  	[sflag:s18] =	ssyncset.done $0x0  }
0x4a: {  	[sflag:s18] =	ssyncadd.s32 $0xFFFFE000  }
0x4b: {  	_ =	swait.ge [sflag:s19], $0x2000  }
0x4c: {  	[sflag:s19] =	ssyncset.done $0x0  }
0x4d: {  	[sflag:s19] =	ssyncadd.s32 $0xFFFFE000  }
0x4e: {  	_ =	swait.ge [sflag:s20], $0x2000  }
0x4f: {  	[sflag:s20] =	ssyncset.done $0x0  }
0x50: {  	[sflag:s20] =	ssyncadd.s32 $0xFFFFE000  }
0x51: {  	_ =	swait.ge [sflag:s21], $0x2000  }
0x52: {  	[sflag:s21] =	ssyncset.done $0x0  }
0x53: {  	[sflag:s21] =	ssyncadd.s32 $0xFFFFE000  }
0x54: {  	_ =	swait.ge [sflag:s22], $0x4E20  }
0x55: {  	[sflag:s22] =	ssyncset.done $0x0  }
0x56: {  	[sflag:s22] =	ssyncadd.s32 $0xFFFFB1E0  }
0x57: {  	_ =	swait.ge [sflag:s23], $0x4E20  }
0x58: {  	[sflag:s23] =	ssyncset.done $0x0  }
0x59: {  	[sflag:s23] =	ssyncadd.s32 $0xFFFFB1E0  }
0x5a: {  	s8 =	simm.s32 $0x0;
	[bflag:$0x0] =	sbarrier.arrive $0xFFFF  }
0x5b: {  	[tilespmem:s25], [sflag:$0x1] =	stream.indirect.gather [hbm4b:s1+s24], $0x40, s8, s24, $0xb8;
	[tilespmem:$0x1E840] =	vst v63  }
0x5c: {  	_ = 	snop  }
0x5d: {  	[tilespmem:s26], [sflag:$0x2] =	stream.indirect.gather [hbm4b:s1+s24], $0x40, s24, s24, $0xb8;
	[tilespmem:$0x1E840] =	vst v63  }
0x5e: {  	s13 =	simm.s32 $0xA0  }
0x5f: {  	[tilespmem:s29], [sflag:$0x3] =	stream.indirect.gather [hbm4b:s1+s24], $0x40, s13, s24, $0xb8;
	[tilespmem:$0x1E840] =	vst v63  }
.LBB2_6:
0x60: {  	_ =	swait.ge [sflag:s17], $0x1400  }
0x61: {  	s9 =	sshra.s32 s8, $0x2;
	[sflag:s17] =	ssyncset.done $0x0  }
0x62: {  	s10 =	sadd.s32 $0x4E20, s9;
	[sflag:s17] =	ssyncadd.s32 $0xFFFFEC00  }
0x63: {  	[spmem:s3] =	stream.indirect.scatter.add.f32 [tilespmem:s25], [sflag:$0x6], $0x40, s10, s24, $0xb8;
	[tilespmem:$0x1E840] =	vst v63  }
0x64: {  	v2 =	vld [tilespmem:s9+$0x4E20];
	_ =	sdelay $0x7  }
0x65: {  	[tilespmem:v2+s30+$0x0] =	vst.idx.add.f32.msk $0xffff, v1  }
0x66: {  	v2 =	vld [tilespmem:s9+$0x4E30];
	_ =	sdelay $0x7  }
0x67: {  	[tilespmem:v2+s30+$0x0] =	vst.idx.add.f32.msk $0xffff, v1  }
0x68: {  	v2 =	vld [tilespmem:s9+$0x4E40];
	_ =	sdelay $0x7  }
0x69: {  	[tilespmem:v2+s30+$0x0] =	vst.idx.add.f32.msk $0xffff, v1  }
0x6a: {  	v2 =	vld [tilespmem:s9+$0x4E50];
	_ =	sdelay $0x7  }
0x6b: {  	[tilespmem:v2+s30+$0x0] =	vst.idx.add.f32.msk $0xffff, v1  }
0x6c: {  	v2 =	vld [tilespmem:s9+$0x4E60];
	_ =	sdelay $0x6  }
0x6d: {  	p0 =	seq.s32 s8, $0x0  }
0x6e: {  	s10 =	simm.s32 @!p0 $0x9;
	[tilespmem:v2+s30+$0x0] =	vst.idx.add.f32.msk $0xffff, v1  }
0x6f: {  	_ =	swait.ge @!p0 [sflag:s10], $0x1400  }
0x70: {  	[sflag:s10] =	ssyncset.done @!p0 $0x0  }
0x71: {  	s12 =	sadd.s32 $0xF0, s9;
	[sflag:s10] =	ssyncadd.s32 @!p0 $0xFFFFEC00  }
0x72: {  	[tilespmem:s31], [sflag:$0x4] =	stream.indirect.gather [hbm4b:s1+s24], $0x40, s12, s24, $0xb8;
	[tilespmem:$0x1E840] =	vst v63  }
0x73: {  	_ =	swait.ge [sflag:s18], $0x1400  }
0x74: {  	[sflag:s18] =	ssyncset.done $0x0  }
0x75: {  	s13 =	sadd.s32 $0x4E70, s9;
	[sflag:s18] =	ssyncadd.s32 $0xFFFFEC00  }
0x76: {  	[spmem:s3] =	stream.indirect.scatter.add.f32 [tilespmem:s26], [sflag:$0x7], $0x40, s13, s24, $0xb8;
	[tilespmem:$0x1E840] =	vst v63  }
0x77: {  	v2 =	vld [tilespmem:s9+$0x4E70];
	_ =	sdelay $0x7  }
0x78: {  	[tilespmem:v2+s30+$0x0] =	vst.idx.add.f32.msk $0xffff, v1  }
0x79: {  	v2 =	vld [tilespmem:s9+$0x4E80];
	_ =	sdelay $0x7  }
0x7a: {  	[tilespmem:v2+s30+$0x0] =	vst.idx.add.f32.msk $0xffff, v1  }
0x7b: {  	v2 =	vld [tilespmem:s9+$0x4E90];
	_ =	sdelay $0x7  }
0x7c: {  	[tilespmem:v2+s30+$0x0] =	vst.idx.add.f32.msk $0xffff, v1  }
0x7d: {  	v2 =	vld [tilespmem:s9+$0x4EA0];
	_ =	sdelay $0x7  }
0x7e: {  	[tilespmem:v2+s30+$0x0] =	vst.idx.add.f32.msk $0xffff, v1  }
0x7f: {  	v2 =	vld [tilespmem:s9+$0x4EB0];
	_ =	sdelay $0x7  }
0x80: {  	s10 =	simm.s32 @!p0 $0xA;
	[tilespmem:v2+s30+$0x0] =	vst.idx.add.f32.msk $0xffff, v1  }
0x81: {  	_ =	swait.ge @!p0 [sflag:s10], $0x1400  }
0x82: {  	[sflag:s10] =	ssyncset.done @!p0 $0x0  }
0x83: {  	s11 =	sadd.s32 $0x140, s9;
	[sflag:s10] =	ssyncadd.s32 @!p0 $0xFFFFEC00  }
0x84: {  	[tilespmem:s2], [sflag:$0x5] =	stream.indirect.gather [hbm4b:s1+s24], $0x40, s11, s24, $0xb8;
	[tilespmem:$0x1E840] =	vst v63  }
0x85: {  	_ =	swait.ge [sflag:s19], $0x1400  }
0x86: {  	[sflag:s19] =	ssyncset.done $0x0  }
0x87: {  	s12 =	sadd.s32 $0x4EC0, s9;
	[sflag:s19] =	ssyncadd.s32 $0xFFFFEC00  }
0x88: {  	[spmem:s3] =	stream.indirect.scatter.add.f32 [tilespmem:s29], [sflag:$0x8], $0x40, s12, s24, $0xb8;
	[tilespmem:$0x1E840] =	vst v63  }
0x89: {  	v2 =	vld [tilespmem:s9+$0x4EC0];
	_ =	sdelay $0x7  }
0x8a: {  	[tilespmem:v2+s30+$0x0] =	vst.idx.add.f32.msk $0xffff, v1  }
0x8b: {  	v2 =	vld [tilespmem:s9+$0x4ED0];
	_ =	sdelay $0x7  }
0x8c: {  	[tilespmem:v2+s30+$0x0] =	vst.idx.add.f32.msk $0xffff, v1  }
0x8d: {  	v2 =	vld [tilespmem:s9+$0x4EE0];
	_ =	sdelay $0x7  }
0x8e: {  	[tilespmem:v2+s30+$0x0] =	vst.idx.add.f32.msk $0xffff, v1  }
0x8f: {  	v2 =	vld [tilespmem:s9+$0x4EF0];
	_ =	sdelay $0x7  }
0x90: {  	[tilespmem:v2+s30+$0x0] =	vst.idx.add.f32.msk $0xffff, v1  }
0x91: {  	v2 =	vld [tilespmem:s9+$0x4F00];
	_ =	sdelay $0x7  }
0x92: {  	[tilespmem:v2+s30+$0x0] =	vst.idx.add.f32.msk $0xffff, v1  }
0x93: {  	p0 =	seq.s32 s8, $0x13240;
	_ =	swait.ge [sflag:s22], $0x1400  }
0x94: {  	s10 =	sshra.s32 @!p0 s8, $0x2;
	s13 =	simm.s32 @!p0 $0x9C40;
	[sflag:s22] =	ssyncset.done $0x0  }
0x95: {  	s11 =	sadd.s32 @!p0 $0x190, s10;
	s12 =	simm.s32 @!p0 $0x50;
	[sflag:s22] =	ssyncadd.s32 $0xFFFFEC00  }
0x96: {  	[tilespmem:s13], [sflag:$0x1] =	stream.indirect.gather @!p0 [hbm4b:s1+s12], $0x40, s11, s12, $0xb8;
	[tilespmem:$0x1E840] =	vst v63  }
0x97: {  	_ =	swait.ge [sflag:s20], $0x1400  }
0x98: {  	[sflag:s20] =	ssyncset.done $0x0  }
0x99: {  	s13 =	sadd.s32 $0x4F10, s9;
	[sflag:s20] =	ssyncadd.s32 $0xFFFFEC00  }
0x9a: {  	[spmem:s3] =	stream.indirect.scatter.add.f32 [tilespmem:s31], [sflag:$0x9], $0x40, s13, s24, $0xb8;
	[tilespmem:$0x1E840] =	vst v63  }
0x9b: {  	v2 =	vld [tilespmem:s9+$0x4F10];
	_ =	sdelay $0x7  }
0x9c: {  	[tilespmem:v2+s30+$0x0] =	vst.idx.add.f32.msk $0xffff, v1  }
0x9d: {  	v2 =	vld [tilespmem:s9+$0x4F20];
	_ =	sdelay $0x7  }
0x9e: {  	[tilespmem:v2+s30+$0x0] =	vst.idx.add.f32.msk $0xffff, v1  }
0x9f: {  	v2 =	vld [tilespmem:s9+$0x4F30];
	_ =	sdelay $0x7  }
0xa0: {  	[tilespmem:v2+s30+$0x0] =	vst.idx.add.f32.msk $0xffff, v1  }
0xa1: {  	v2 =	vld [tilespmem:s9+$0x4F40];
	_ =	sdelay $0x7  }
0xa2: {  	[tilespmem:v2+s30+$0x0] =	vst.idx.add.f32.msk $0xffff, v1  }
0xa3: {  	v2 =	vld [tilespmem:s9+$0x4F50];
	_ =	sdelay $0x7  }
0xa4: {  	[tilespmem:v2+s30+$0x0] =	vst.idx.add.f32.msk $0xffff, v1  }
0xa5: {  	_ =	swait.ge [sflag:s23], $0x1400  }
0xa6: {  	[sflag:s23] =	ssyncset.done $0x0  }
0xa7: {  	s10 =	sadd.s32 @!p0 $0x1E0, s10;
	s11 =	simm.s32 @!p0 $0xB040;
	[sflag:s23] =	ssyncadd.s32 $0xFFFFEC00  }
0xa8: {  	[tilespmem:s11], [sflag:$0x2] =	stream.indirect.gather @!p0 [hbm4b:s1+s12], $0x40, s10, s12, $0xb8;
	[tilespmem:$0x1E840] =	vst v63  }
0xa9: {  	_ =	swait.ge [sflag:s21], $0x1400  }
0xaa: {  	[sflag:s21] =	ssyncset.done $0x0  }
0xab: {  	s13 =	sadd.s32 $0x4F60, s9;
	[sflag:s21] =	ssyncadd.s32 $0xFFFFEC00  }
0xac: {  	[spmem:s3] =	stream.indirect.scatter.add.f32 [tilespmem:s2], [sflag:$0xA], $0x40, s13, s24, $0xb8;
	[tilespmem:$0x1E840] =	vst v63  }
0xad: {  	v2 =	vld [tilespmem:s9+$0x4F60];
	_ =	sdelay $0x7  }
0xae: {  	[tilespmem:v2+s30+$0x0] =	vst.idx.add.f32.msk $0xffff, v1  }
0xaf: {  	v2 =	vld [tilespmem:s9+$0x4F70];
	_ =	sdelay $0x7  }
0xb0: {  	[tilespmem:v2+s30+$0x0] =	vst.idx.add.f32.msk $0xffff, v1  }
0xb1: {  	v2 =	vld [tilespmem:s9+$0x4F80];
	_ =	sdelay $0x7  }
0xb2: {  	[tilespmem:v2+s30+$0x0] =	vst.idx.add.f32.msk $0xffff, v1  }
0xb3: {  	v2 =	vld [tilespmem:s9+$0x4F90];
	_ =	sdelay $0x7  }
0xb4: {  	[tilespmem:v2+s30+$0x0] =	vst.idx.add.f32.msk $0xffff, v1  }
0xb5: {  	v2 =	vld [tilespmem:s9+$0x4FA0];
	_ =	sdelay $0x6  }
.Ltmp4:
0xb6: {  	_ = 	snop;
	(pc) =	sbr.rel @p0 .LBB2_8-.Ltmp4, $4  }
0xb7: {  	[tilespmem:v2+s30+$0x0] =	vst.idx.add.f32.msk $0xffff, v1  }
0xb8: {  	_ =	swait.ge [sflag:s0], $0x1400  }
0xb9: {  	[sflag:s0] =	ssyncset.done $0x0  }
0xba: {  	[sflag:s0] =	ssyncadd.s32 $0xFFFFEC00  }
.Ltmp5:
0xbb: {  	(pc) =	sbr.rel .LBB2_6-.Ltmp5, $3  }
0xbc: {  	_ =	sdelay $0x1  }
0xbd: {  	s9 =	sadd.s32 $0x230, s9;
	s8 =	sadd.s32 $0x640, s8  }
0xbe: {  	[tilespmem:s29], [sflag:$0x3] =	stream.indirect.gather [hbm4b:s1+s24], $0x40, s9, s24, $0xb8;
	[tilespmem:$0x1E840] =	vst v63  }
.LBB2_9:
0xbf: {  	_ =	sfence.sel $0x180000  }
0xc0: {  	[bflag:$0x0] =	sbarrier.arrive $0xFFFF  }
0xc1: {  	_ =	strace $0x90000047  }
0xc2: {  	s0 =	stileid.u32;
	[bflag:$0x2] =	sbarrier.arrive $0xFFFF  }
0xc3: {  	p0 =	sne.s32 s0, $0x0;
	s0 =	rddreg [dreg:$0x3]  }
0xc4: {  	s0 =	sadd.s32 @!p0 $0x100000, s0  }
0xc5: {  	[sflag:s0] =	ssyncadd.tile.s32 @!p0 $0x1;
	_ =	shalt  }
.Lfunc_end2:
_tile_overlayer_lowered:
.L_overlay_start_2:
0xc6: {  	(tag) =	ssettag $0x2  }
0xc7: {  	s0 =	rddreg [dreg:$0x0];
	s2 =	stileid.u32  }
0xc8: {  	s1 =	rddreg [dreg:$0x1];
	p0 =	sne.s32 s2, $0x0  }
0xc9: {  	s3 =	rddreg [dreg:$0x2];
	[bflag:$0x3] =	sbarrier.arrive $0xFFFF;
	s2 =	simm.s32 @!p0 $0x1C0B  }
0xca: {  	[timem:s3], [sflag:s2] =	dma.local @!p0 [hbm:s0], s1  }
0xcb: {  	s0 =	simm.s32 @!p0 $0xB  }
0xcc: {  	_ =	swait.ge @!p0 [sflag:s0], s1  }
0xcd: {  	s1 =	ssub.s32 @!p0 $0x0, s1;
	[sflag:s0] =	ssyncset.done @!p0 $0x0  }
0xce: {  	[sflag:s0] =	ssyncadd.s32 @!p0 s1  }
0xcf: {  	[bflag:$0x3] =	sbarrier.arrive $0xFFFF  }
0xd0: {  	_ =	shalt  }

</sc_bundles>
